<compile_context>
chip_gen: v7x
topology: tpu7x:2x2x1
jax: 0.10.2.dev20260603
libtpu: 0.0.44.dev20260713+nightly
codegen_flags: <defaults>
</compile_context>

<pallas_src>
import functools

import jax
import jax.numpy as jnp
from jax import lax
from jax.experimental import pallas as pl
from jax.experimental.pallas import tpu as pltpu
from jax.experimental.pallas import tpu_sc as plsc

LANES = 16
TILES = 16
NU = 5


def _logits_body(n_nodes, n_pad, x_s_ref, x_t_ref, w_l_ref, w_r_ref,
                 att_l_ref, att_r_ref, eis_ref, eit_ref,
                 out_ref, src_s_ref, dst_s_ref, src_t_ref, dst_t_ref):
    src_s_ref[...] = eis_ref[0]
    dst_s_ref[...] = eis_ref[1]
    src_t_ref[...] = eit_ref[0]
    dst_t_ref[...] = eit_ref[1]
    h_s = lax.dot_general(x_s_ref[...], w_l_ref[...], (((1,), (1,)), ((), ())))
    h_t = lax.dot_general(x_t_ref[...], w_r_ref[...], (((1,), (1,)), ((), ())))
    a_s = lax.dot_general(att_l_ref[...], h_s, (((1,), (1,)), ((), ())),
                          precision=lax.Precision.HIGHEST)
    a_t = lax.dot_general(att_r_ref[...], h_t, (((1,), (1,)), ((), ())),
                          precision=lax.Precision.HIGHEST)
    ztail = jnp.zeros((n_pad - n_nodes,), jnp.float32)
    for k, row in enumerate((a_s[0], a_s[1], a_t[0], a_t[1])):
        out_ref[pl.ds(k * n_pad, n_nodes)] = row
        out_ref[pl.ds(k * n_pad + n_nodes, n_pad - n_nodes)] = ztail


def _logits(x_s, x_t, w_l, w_r, att_l, att_r, eis, eit, n_pad):
    e = eis.shape[1]
    return pl.pallas_call(
        functools.partial(_logits_body, x_s.shape[0], n_pad),
        out_shape=[
            jax.ShapeDtypeStruct((4 * n_pad,), jnp.float32),
            jax.ShapeDtypeStruct((e,), eis.dtype),
            jax.ShapeDtypeStruct((e,), eis.dtype),
            jax.ShapeDtypeStruct((e,), eis.dtype),
            jax.ShapeDtypeStruct((e,), eis.dtype),
        ],
    )(x_s, x_t, w_l, w_r, att_l, att_r, eis, eit)


def _softmax_body(n_pad, ept, src_s_hbm, dst_s_hbm, src_t_hbm, dst_t_hbm,
                  a_hbm, w_hbm,
                  src_v0, src_v1, dst_v0, dst_v1, ex_v0, ex_v1,
                  av_v, den_v, selfex_v, selfidx_v, den_sh, w_sh, sem):
    c = lax.axis_index("c")
    s = lax.axis_index("s")
    half = ept // 2
    npt = n_pad // TILES
    src_h = (src_v0, src_v1)
    dst_h = (dst_v0, dst_v1)
    ex_h = (ex_v0, ex_v1)
    iota = lax.iota(jnp.int32, LANES)

    @pl.when(s == 0)
    def _():
        def zero(i, carry):
            den_v[pl.ds(i * LANES, LANES)] = jnp.zeros((LANES,), jnp.float32)
            return carry
        lax.fori_loop(0, n_pad // LANES, zero, 0)
        pltpu.sync_copy(den_v, den_sh)
        pltpu.sync_copy(den_v, w_sh)

    base = s * ept

    def stage(src_hbm, dst_hbm):
        cps = [pltpu.async_copy(src_hbm.at[pl.ds(base + k * half, half)],
                                src_h[k], sem) for k in range(2)]
        cps += [pltpu.async_copy(dst_hbm.at[pl.ds(base + k * half, half)],
                                 dst_h[k], sem) for k in range(2)]
        cps.append(pltpu.async_copy(
            a_hbm.at[pl.ds(2 * c * n_pad, 2 * n_pad)], av_v, sem))
        for cp in cps:
            cp.wait()

    @pl.when(c == 0)
    def _():
        stage(src_s_hbm, dst_s_hbm)

    @pl.when(c == 1)
    def _():
        stage(src_t_hbm, dst_t_hbm)

    plsc.subcore_barrier()

    def p1(k):
        sv, dv_, xv = src_h[k], dst_h[k], ex_h[k]

        def body(j, carry):
            for u in range(NU):
                ii = pl.ds((j * NU + u) * LANES, LANES)
                al = (plsc.load_gather(av_v, [sv[ii]])
                      + plsc.load_gather(av_v, [dv_[ii] + n_pad]))
                xv[ii] = jnp.exp(jnp.maximum(al, al * 0.2))
            return carry
        lax.fori_loop(0, half // (LANES * NU), body, 0)

    def selfloop(j, carry):
        ii = pl.ds(j * LANES, LANES)
        idx = s * npt + j * LANES + iota
        selfidx_v[ii] = idx
        al = (plsc.load_gather(av_v, [idx])
              + plsc.load_gather(av_v, [idx + n_pad]))
        selfex_v[ii] = jnp.exp(jnp.maximum(al, al * 0.2))
        return carry

    p1(0)
    d0 = pltpu.async_copy(ex_v0, den_sh.at[dst_v0], sem, add=True)
    p1(1)
    d1 = pltpu.async_copy(ex_v1, den_sh.at[dst_v1], sem, add=True)
    lax.fori_loop(0, npt // LANES, selfloop, 0)
    d2 = pltpu.async_copy(selfex_v, den_sh.at[selfidx_v], sem, add=True)
    d0.wait()
    d1.wait()
    d2.wait()
    plsc.subcore_barrier()

    pltpu.sync_copy(den_sh, den_v)

    def p2(k):
        dv_, xv = dst_h[k], ex_h[k]

        def body(j, carry):
            for u in range(NU):
                ii = pl.ds((j * NU + u) * LANES, LANES)
                dv = plsc.load_gather(den_v, [dv_[ii]])
                xv[ii] = xv[ii] / dv
            return carry
        lax.fori_loop(0, half // (LANES * NU), body, 0)

    def selfloop2(j, carry):
        ii = pl.ds(j * LANES, LANES)
        dv = den_v[pl.ds(s * npt + j * LANES, LANES)]
        selfex_v[ii] = selfex_v[ii] / dv
        return carry

    p2(0)
    d3 = pltpu.async_copy(ex_v0, w_sh.at[src_v0], sem, add=True)
    p2(1)
    d4 = pltpu.async_copy(ex_v1, w_sh.at[src_v1], sem, add=True)
    lax.fori_loop(0, npt // LANES, selfloop2, 0)
    d5 = pltpu.async_copy(selfex_v, w_sh.at[selfidx_v], sem, add=True)
    d3.wait()
    d4.wait()
    d5.wait()
    plsc.subcore_barrier()

    @pl.when(s == 0)
    def _():
        pltpu.sync_copy(w_sh, w_hbm.at[pl.ds(c * n_pad, n_pad)])


def _edge_softmax(src_s, dst_s, src_t, dst_t, a3, n_pad):
    e = src_s.shape[0]
    ept = e // TILES
    half = ept // 2
    npt = n_pad // TILES
    mesh = plsc.VectorSubcoreMesh(core_axis_name="c", subcore_axis_name="s")
    return pl.kernel(
        functools.partial(_softmax_body, n_pad, ept),
        out_type=jax.ShapeDtypeStruct((2 * n_pad,), jnp.float32),
        mesh=mesh,
        compiler_params=pltpu.CompilerParams(needs_layout_passes=False),
        scratch_types=[
            pltpu.VMEM((half,), jnp.int32),
            pltpu.VMEM((half,), jnp.int32),
            pltpu.VMEM((half,), jnp.int32),
            pltpu.VMEM((half,), jnp.int32),
            pltpu.VMEM((half,), jnp.float32),
            pltpu.VMEM((half,), jnp.float32),
            pltpu.VMEM((2 * n_pad,), jnp.float32),
            pltpu.VMEM((n_pad,), jnp.float32),
            pltpu.VMEM((npt,), jnp.float32),
            pltpu.VMEM((npt,), jnp.int32),
            pltpu.VMEM_SHARED((n_pad,), jnp.float32),
            pltpu.VMEM_SHARED((n_pad,), jnp.float32),
            pltpu.SemaphoreType.DMA,
        ],
    )(src_s, dst_s, src_t, dst_t, a3)


def _head_body(n_nodes, n_pad, w_ref, x_s_ref, x_t_ref, w_l_ref, w_r_ref,
               b_l_ref, b_r_ref, w1_ref, b1_ref, w2m_ref, b2_ref,
               w3_ref, out_ref):
    nn = jnp.float32(n_nodes)
    h_s = lax.dot_general(x_s_ref[...], w_l_ref[...], (((1,), (1,)), ((), ())))
    h_t = lax.dot_general(x_t_ref[...], w_r_ref[...], (((1,), (1,)), ((), ())))
    w_s_row = jnp.reshape(w_ref[pl.ds(0, n_nodes)], (1, n_nodes))
    w_t_row = jnp.reshape(w_ref[pl.ds(n_pad, n_nodes)], (1, n_nodes))
    sum_a = lax.dot_general(w_s_row, h_s,
                            (((1,), (0,)), ((), ())),
                            precision=lax.Precision.HIGHEST) + nn * b_l_ref[...][None, :]
    sum_b = lax.dot_general(w_t_row, h_t,
                            (((1,), (0,)), ((), ())),
                            precision=lax.Precision.HIGHEST) + nn * b_r_ref[...][None, :]
    featc = jnp.concatenate([sum_a, sum_b], axis=1)
    h1 = lax.dot_general(featc, w1_ref[...],
                         (((1,), (1,)), ((), ())))
    h1 = h1 + b1_ref[...][None, :]
    h2 = lax.dot_general(h1, w2m_ref[...],
                         (((1,), (1,)), ((), ())))
    h2 = h2 + b2_ref[...][None, :]
    out = lax.dot_general(h2, w3_ref[...],
                          (((1,), (1,)), ((), ())))
    out_ref[...] = out


def _head(w_flat, x_s, x_t, w_l, w_r, b_l, b_r, w1, b1, w2m, b2, w3, n_pad):
    n_nodes = x_s.shape[0]
    return pl.pallas_call(
        functools.partial(_head_body, n_nodes, n_pad),
        out_shape=jax.ShapeDtypeStruct((1, 1), jnp.float32),
    )(w_flat, x_s, x_t, w_l, w_r, b_l, b_r, w1, b1, w2m, b2, w3)


def kernel(x_s, edge_index_s, x_t, edge_index_t, W_l, att_src_l, att_dst_l,
           bias_l, W_r, att_src_r, att_dst_r, bias_r, W1, b1, W2, b2, W3, b3):
    n, c = x_s.shape
    e = edge_index_s.shape[1]
    n_pad = ((n + 255) // 256) * 256

    att_l = jnp.stack([att_src_l, att_dst_l])
    att_r = jnp.stack([att_src_r, att_dst_r])

    a4, src_s, dst_s, src_t, dst_t = _logits(
        x_s, x_t, W_l, W_r, att_l, att_r, edge_index_s, edge_index_t, n_pad)
    w_flat = _edge_softmax(src_s, dst_s, src_t, dst_t, a4, n_pad)
    out = _head(w_flat, x_s, x_t, W_l, W_r, bias_l, bias_r,
                W1, b1, W2, b2, W3, n_pad)
    return out.reshape(1) + b3

# --- scband reference (transcript-rebuilt; emitter-appended) ---
"""Pipeline reference for scband-part-of-net-10411000725572 (READ-ONLY COPY).

The authoritative reference and input builder live on the scoring server;
editing this copy changes nothing except your own understanding.
"""

import jax, jax.numpy as jnp
import numpy as np

N = 10000
E = 320000
C = 128


def _gat(x, edge_index, W, att_src, att_dst, bias):
    # PyG GATConv, heads=1, concat=True, negative_slope=0.2, add_self_loops=True
    n = x.shape[0]
    h = x @ W.T  # [n, C]
    loop = jnp.arange(n, dtype=edge_index.dtype)
    src = jnp.concatenate([edge_index[0], loop])
    dst = jnp.concatenate([edge_index[1], loop])
    a_src = (h * att_src).sum(-1)  # [n]
    a_dst = (h * att_dst).sum(-1)  # [n]
    alpha = jax.nn.leaky_relu(a_src[src] + a_dst[dst], 0.2)
    amax = jax.ops.segment_max(alpha, dst, num_segments=n)
    ex = jnp.exp(alpha - amax[dst])
    denom = jax.ops.segment_sum(ex, dst, num_segments=n)
    coef = ex / (denom[dst] + 1e-16)
    out = jax.ops.segment_sum(h[src] * coef[:, None], dst, num_segments=n)
    return out + bias


def setup_inputs(seed: int = 0):
    key = jax.random.key(seed)
    ks = jax.random.split(key, 18)
    s = 1.0 / np.sqrt(C)
    inp = {}
    inp["x_s"] = jax.random.normal(ks[0], (N, C), dtype=jnp.float32)
    inp["edge_index_s"] = jax.random.randint(ks[1], (2, E), 0, N, dtype=jnp.int32)
    inp["x_t"] = jax.random.normal(ks[2], (N, C), dtype=jnp.float32)
    inp["edge_index_t"] = jax.random.randint(ks[3], (2, E), 0, N, dtype=jnp.int32)
    # left GATConv params
    inp["W_l"] = jax.random.normal(ks[4], (C, C), dtype=jnp.float32) * s
    inp["att_src_l"] = jax.random.normal(ks[5], (C,), dtype=jnp.float32) * s
    inp["att_dst_l"] = jax.random.normal(ks[6], (C,), dtype=jnp.float32) * s
    inp["bias_l"] = jnp.zeros((C,), dtype=jnp.float32)
    # right GATConv params
    inp["W_r"] = jax.random.normal(ks[7], (C, C), dtype=jnp.float32) * s
    inp["att_src_r"] = jax.random.normal(ks[8], (C,), dtype=jnp.float32) * s
    inp["att_dst_r"] = jax.random.normal(ks[9], (C,), dtype=jnp.float32) * s
    inp["bias_r"] = jnp.zeros((C,), dtype=jnp.float32)
    # output_net: Linear(2C, C*C) -> Linear(C*C, C) -> Linear(C, 1)
    inp["W1"] = jax.random.normal(ks[10], (C * C, 2 * C), dtype=jnp.float32) * (1.0 / np.sqrt(2 * C))
    inp["b1"] = jnp.zeros((C * C,), dtype=jnp.float32)
    inp["W2"] = jax.random.normal(ks[11], (C, C * C), dtype=jnp.float32) * (1.0 / np.sqrt(C * C))
    inp["b2"] = jnp.zeros((C,), dtype=jnp.float32)
    inp["W3"] = jax.random.normal(ks[12], (1, C), dtype=jnp.float32) * s
    inp["b3"] = jnp.zeros((1,), dtype=jnp.float32)
    return inp


def reference(x_s, edge_index_s, x_t, edge_index_t, W_l, att_src_l, att_dst_l, bias_l, W_r, att_src_r, att_dst_r, bias_r, W1, b1, W2, b2, W3, b3):
    a = _gat(x_s, edge_index_s, W_l, att_src_l, att_dst_l, bias_l)
    b = _gat(x_t, edge_index_t, W_r, att_src_r, att_dst_r, bias_r)
    feat = jnp.concatenate([jnp.sum(a, axis=0), jnp.sum(b, axis=0)], axis=0)  # [2C]
    h1 = feat @ W1.T + b1
    h2 = h1 @ W2.T + b2
    out = h2 @ W3.T + b3
    return out

if __name__ == "__main__":
    import jax
    _d = setup_inputs()
    print(jax.jit(kernel)(*tuple(_d.values())))

</pallas_src>

<mosaic_0001>
#map = affine_map<(d0, d1) -> (0)>
module attributes {stable_mosaic.version = 14 : i64} {
  func.func @_softmax_body(%arg0: i32, %arg1: i32, %arg2: memref<320000xi32, #tpu.memory_space<hbm>>, %arg3: memref<320000xi32, #tpu.memory_space<hbm>>, %arg4: memref<320000xi32, #tpu.memory_space<hbm>>, %arg5: memref<320000xi32, #tpu.memory_space<hbm>>, %arg6: memref<40960xf32, #tpu.memory_space<hbm>>, %arg7: memref<20480xf32, #tpu.memory_space<hbm>>, %arg8: memref<10000xi32, #tpu.memory_space<vmem>>, %arg9: memref<10000xi32, #tpu.memory_space<vmem>>, %arg10: memref<10000xi32, #tpu.memory_space<vmem>>, %arg11: memref<10000xi32, #tpu.memory_space<vmem>>, %arg12: memref<10000xf32, #tpu.memory_space<vmem>>, %arg13: memref<10000xf32, #tpu.memory_space<vmem>>, %arg14: memref<20480xf32, #tpu.memory_space<vmem>>, %arg15: memref<10240xf32, #tpu.memory_space<vmem>>, %arg16: memref<640xf32, #tpu.memory_space<vmem>>, %arg17: memref<640xi32, #tpu.memory_space<vmem>>, %arg18: memref<10240xf32, #tpu.memory_space<vmem_shared>>, %arg19: memref<10240xf32, #tpu.memory_space<vmem_shared>>, %arg20: memref<!tpu.dma_semaphore, #tpu.memory_space<semaphore_mem>>) attributes {dimension_semantics = [#tpu.dimension_semantics<core_parallel>, #tpu.dimension_semantics<subcore_parallel>], iteration_bounds = array<i64: 2, 16>, scalar_prefetch = 0 : i64, scratch_operands = 13 : i64, tpu.core_type = #tpu.core_type<sc_vector_subcore>, window_params = [{transform_indices = #map}, {transform_indices = #map}, {transform_indices = #map}, {transform_indices = #map}, {transform_indices = #map}, {transform_indices = #map}]} {
    %iota3A = tpu.iota {dimensions = array<i32: 0>} : vector<16xi32>
    %eq3A = arith.constant 0 : i32
    %eq3A_0 = arith.cmpi eq, %arg1, %eq3A : i32
    %convert_element_type3A = arith.extui %eq3A_0 : i1 to i32
    %cond3A = arith.constant 0 : i32
    %cond3A_1 = arith.cmpi ne, %convert_element_type3A, %cond3A : i32
    scf.if %cond3A_1 {
      %scan3A_77 = arith.constant 0 : i32
      %scan3A_78 = arith.constant 0 : i32
      %scan3A_79 = arith.constant 640 : i32
      %scan3A_80 = arith.addi %scan3A_78, %scan3A_79 : i32
      %scan3A_81 = arith.constant 1 : i32
      scf.for %scan3A_83 = %scan3A_78 to %scan3A_80 step %scan3A_81  : i32 {
        %broadcast_in_dim3A = arith.constant 0.000000e+00 : f32
        %broadcast_in_dim3A_84 = vector.broadcast %broadcast_in_dim3A : f32 to vector<16xf32>
        %mul3A_85 = arith.constant 16 : i32
        %mul3A_86 = arith.muli %scan3A_83, %mul3A_85 : i32
        %swap3A = arith.index_cast %mul3A_86 : i32 to index
        %swap3A_87 = tpu.vector_load %arg15[%swap3A] {strides = array<i32>} : memref<10240xf32, #tpu.memory_space<vmem>>, vector<16xf32>,
        tpu.vector_store %arg15[%swap3A], %broadcast_in_dim3A_84 {strides = array<i32>} : memref<10240xf32, #tpu.memory_space<vmem>>, vector<16xf32>,
      }
      %scan3A_82 = arith.constant 640 : i32
      "tpu.region"() ({
        %run_scoped3A = tpu.sem_alloc : memref<!tpu.dma_semaphore, #tpu.memory_space<semaphore_mem>>
        tpu.enqueue_dma source(%arg15 : memref<10240xf32, #tpu.memory_space<vmem>>) target(%arg18 : memref<10240xf32, #tpu.memory_space<vmem_shared>>) target_semaphore(%run_scoped3A : memref<!tpu.dma_semaphore, #tpu.memory_space<semaphore_mem>>)
        tpu.wait_dma2 semaphore(%run_scoped3A : memref<!tpu.dma_semaphore, #tpu.memory_space<semaphore_mem>>) src(%arg15 : memref<10240xf32, #tpu.memory_space<vmem>>) dst(%arg18 : memref<10240xf32, #tpu.memory_space<vmem_shared>>)
        tpu.yield
      }) : () -> ()
      "tpu.region"() ({
        %run_scoped3A = tpu.sem_alloc : memref<!tpu.dma_semaphore, #tpu.memory_space<semaphore_mem>>
        tpu.enqueue_dma source(%arg15 : memref<10240xf32, #tpu.memory_space<vmem>>) target(%arg19 : memref<10240xf32, #tpu.memory_space<vmem_shared>>) target_semaphore(%run_scoped3A : memref<!tpu.dma_semaphore, #tpu.memory_space<semaphore_mem>>)
        tpu.wait_dma2 semaphore(%run_scoped3A : memref<!tpu.dma_semaphore, #tpu.memory_space<semaphore_mem>>) src(%arg15 : memref<10240xf32, #tpu.memory_space<vmem>>) dst(%arg19 : memref<10240xf32, #tpu.memory_space<vmem_shared>>)
        tpu.yield
      }) : () -> ()
    } else {
    }
    %mul3A = arith.constant 20000 : i32
    %mul3A_2 = arith.muli %arg1, %mul3A : i32
    %eq3A_3 = arith.constant 0 : i32
    %eq3A_4 = arith.cmpi eq, %arg0, %eq3A_3 : i32
    %convert_element_type3A_5 = arith.extui %eq3A_4 : i1 to i32
    %cond3A_6 = arith.constant 0 : i32
    %cond3A_7 = arith.cmpi ne, %convert_element_type3A_5, %cond3A_6 : i32
    scf.if %cond3A_7 {
      %add3A = arith.constant 0 : i32
      %add3A_77 = arith.addi %mul3A_2, %add3A : i32
      %dma_start3A_78 = tpu.memref_slice %arg2[%add3A_77] : memref<320000xi32, #tpu.memory_space<hbm>> -> memref<10000xi32, #tpu.memory_space<hbm>>
      %dma_start3A_79 = tpu.memref_slice %arg2[%add3A_77] : memref<320000xi32, #tpu.memory_space<hbm>> -> memref<10000xi32, #tpu.memory_space<hbm>>
      tpu.enqueue_dma source(%dma_start3A_79 : memref<10000xi32, #tpu.memory_space<hbm>>) target(%arg8 : memref<10000xi32, #tpu.memory_space<vmem>>) target_semaphore(%arg20 : memref<!tpu.dma_semaphore, #tpu.memory_space<semaphore_mem>>)
      %add3A_80 = arith.constant 10000 : i32
      %add3A_81 = arith.addi %mul3A_2, %add3A_80 : i32
      %dma_start3A_82 = tpu.memref_slice %arg2[%add3A_81] : memref<320000xi32, #tpu.memory_space<hbm>> -> memref<10000xi32, #tpu.memory_space<hbm>>
      %dma_start3A_83 = tpu.memref_slice %arg2[%add3A_81] : memref<320000xi32, #tpu.memory_space<hbm>> -> memref<10000xi32, #tpu.memory_space<hbm>>
      tpu.enqueue_dma source(%dma_start3A_83 : memref<10000xi32, #tpu.memory_space<hbm>>) target(%arg9 : memref<10000xi32, #tpu.memory_space<vmem>>) target_semaphore(%arg20 : memref<!tpu.dma_semaphore, #tpu.memory_space<semaphore_mem>>)
      %add3A_84 = arith.constant 0 : i32
      %add3A_85 = arith.addi %mul3A_2, %add3A_84 : i32
      %dma_start3A_86 = tpu.memref_slice %arg3[%add3A_85] : memref<320000xi32, #tpu.memory_space<hbm>> -> memref<10000xi32, #tpu.memory_space<hbm>>
      %dma_start3A_87 = tpu.memref_slice %arg3[%add3A_85] : memref<320000xi32, #tpu.memory_space<hbm>> -> memref<10000xi32, #tpu.memory_space<hbm>>
      tpu.enqueue_dma source(%dma_start3A_87 : memref<10000xi32, #tpu.memory_space<hbm>>) target(%arg10 : memref<10000xi32, #tpu.memory_space<vmem>>) target_semaphore(%arg20 : memref<!tpu.dma_semaphore, #tpu.memory_space<semaphore_mem>>)
      %add3A_88 = arith.constant 10000 : i32
      %add3A_89 = arith.addi %mul3A_2, %add3A_88 : i32
      %dma_start3A_90 = tpu.memref_slice %arg3[%add3A_89] : memref<320000xi32, #tpu.memory_space<hbm>> -> memref<10000xi32, #tpu.memory_space<hbm>>
      %dma_start3A_91 = tpu.memref_slice %arg3[%add3A_89] : memref<320000xi32, #tpu.memory_space<hbm>> -> memref<10000xi32, #tpu.memory_space<hbm>>
      tpu.enqueue_dma source(%dma_start3A_91 : memref<10000xi32, #tpu.memory_space<hbm>>) target(%arg11 : memref<10000xi32, #tpu.memory_space<vmem>>) target_semaphore(%arg20 : memref<!tpu.dma_semaphore, #tpu.memory_space<semaphore_mem>>)
      %mul3A_92 = arith.constant 2 : i32
      %mul3A_93 = arith.muli %mul3A_92, %arg0 : i32
      %mul3A_94 = arith.constant 10240 : i32
      %mul3A_95 = arith.muli %mul3A_93, %mul3A_94 : i32
      %dma_start3A_96 = tpu.memref_slice %arg6[%mul3A_95] : memref<40960xf32, #tpu.memory_space<hbm>> -> memref<20480xf32, #tpu.memory_space<hbm>>
      %dma_start3A_97 = tpu.memref_slice %arg6[%mul3A_95] : memref<40960xf32, #tpu.memory_space<hbm>> -> memref<20480xf32, #tpu.memory_space<hbm>>
      tpu.enqueue_dma source(%dma_start3A_97 : memref<20480xf32, #tpu.memory_space<hbm>>) target(%arg14 : memref<20480xf32, #tpu.memory_space<vmem>>) target_semaphore(%arg20 : memref<!tpu.dma_semaphore, #tpu.memory_space<semaphore_mem>>)
      %dma_wait3A_98 = tpu.memref_slice %arg2[%add3A_77] : memref<320000xi32, #tpu.memory_space<hbm>> -> memref<10000xi32, #tpu.memory_space<hbm>>
      %dma_wait3A_99 = tpu.memref_slice %arg2[%add3A_77] : memref<320000xi32, #tpu.memory_space<hbm>> -> memref<10000xi32, #tpu.memory_space<hbm>>
      tpu.wait_dma2 semaphore(%arg20 : memref<!tpu.dma_semaphore, #tpu.memory_space<semaphore_mem>>) src(%dma_wait3A_99 : memref<10000xi32, #tpu.memory_space<hbm>>) dst(%arg8 : memref<10000xi32, #tpu.memory_space<vmem>>)
      %dma_wait3A_100 = tpu.memref_slice %arg2[%add3A_81] : memref<320000xi32, #tpu.memory_space<hbm>> -> memref<10000xi32, #tpu.memory_space<hbm>>
      %dma_wait3A_101 = tpu.memref_slice %arg2[%add3A_81] : memref<320000xi32, #tpu.memory_space<hbm>> -> memref<10000xi32, #tpu.memory_space<hbm>>
      tpu.wait_dma2 semaphore(%arg20 : memref<!tpu.dma_semaphore, #tpu.memory_space<semaphore_mem>>) src(%dma_wait3A_101 : memref<10000xi32, #tpu.memory_space<hbm>>) dst(%arg9 : memref<10000xi32, #tpu.memory_space<vmem>>)
      %dma_wait3A_102 = tpu.memref_slice %arg3[%add3A_85] : memref<320000xi32, #tpu.memory_space<hbm>> -> memref<10000xi32, #tpu.memory_space<hbm>>
      %dma_wait3A_103 = tpu.memref_slice %arg3[%add3A_85] : memref<320000xi32, #tpu.memory_space<hbm>> -> memref<10000xi32, #tpu.memory_space<hbm>>
      tpu.wait_dma2 semaphore(%arg20 : memref<!tpu.dma_semaphore, #tpu.memory_space<semaphore_mem>>) src(%dma_wait3A_103 : memref<10000xi32, #tpu.memory_space<hbm>>) dst(%arg10 : memref<10000xi32, #tpu.memory_space<vmem>>)
      %dma_wait3A_104 = tpu.memref_slice %arg3[%add3A_89] : memref<320000xi32, #tpu.memory_space<hbm>> -> memref<10000xi32, #tpu.memory_space<hbm>>
      %dma_wait3A_105 = tpu.memref_slice %arg3[%add3A_89] : memref<320000xi32, #tpu.memory_space<hbm>> -> memref<10000xi32, #tpu.memory_space<hbm>>
      tpu.wait_dma2 semaphore(%arg20 : memref<!tpu.dma_semaphore, #tpu.memory_space<semaphore_mem>>) src(%dma_wait3A_105 : memref<10000xi32, #tpu.memory_space<hbm>>) dst(%arg11 : memref<10000xi32, #tpu.memory_space<vmem>>)
      %dma_wait3A_106 = tpu.memref_slice %arg6[%mul3A_95] : memref<40960xf32, #tpu.memory_space<hbm>> -> memref<20480xf32, #tpu.memory_space<hbm>>
      %dma_wait3A_107 = tpu.memref_slice %arg6[%mul3A_95] : memref<40960xf32, #tpu.memory_space<hbm>> -> memref<20480xf32, #tpu.memory_space<hbm>>
      tpu.wait_dma2 semaphore(%arg20 : memref<!tpu.dma_semaphore, #tpu.memory_space<semaphore_mem>>) src(%dma_wait3A_107 : memref<20480xf32, #tpu.memory_space<hbm>>) dst(%arg14 : memref<20480xf32, #tpu.memory_space<vmem>>)
    } else {
    }
    %eq3A_8 = arith.constant 1 : i32
    %eq3A_9 = arith.cmpi eq, %arg0, %eq3A_8 : i32
    %convert_element_type3A_10 = arith.extui %eq3A_9 : i1 to i32
    %cond3A_11 = arith.constant 0 : i32
    %cond3A_12 = arith.cmpi ne, %convert_element_type3A_10, %cond3A_11 : i32
    scf.if %cond3A_12 {
      %add3A = arith.constant 0 : i32
      %add3A_77 = arith.addi %mul3A_2, %add3A : i32
      %dma_start3A_78 = tpu.memref_slice %arg4[%add3A_77] : memref<320000xi32, #tpu.memory_space<hbm>> -> memref<10000xi32, #tpu.memory_space<hbm>>
      %dma_start3A_79 = tpu.memref_slice %arg4[%add3A_77] : memref<320000xi32, #tpu.memory_space<hbm>> -> memref<10000xi32, #tpu.memory_space<hbm>>
      tpu.enqueue_dma source(%dma_start3A_79 : memref<10000xi32, #tpu.memory_space<hbm>>) target(%arg8 : memref<10000xi32, #tpu.memory_space<vmem>>) target_semaphore(%arg20 : memref<!tpu.dma_semaphore, #tpu.memory_space<semaphore_mem>>)
      %add3A_80 = arith.constant 10000 : i32
      %add3A_81 = arith.addi %mul3A_2, %add3A_80 : i32
      %dma_start3A_82 = tpu.memref_slice %arg4[%add3A_81] : memref<320000xi32, #tpu.memory_space<hbm>> -> memref<10000xi32, #tpu.memory_space<hbm>>
      %dma_start3A_83 = tpu.memref_slice %arg4[%add3A_81] : memref<320000xi32, #tpu.memory_space<hbm>> -> memref<10000xi32, #tpu.memory_space<hbm>>
      tpu.enqueue_dma source(%dma_start3A_83 : memref<10000xi32, #tpu.memory_space<hbm>>) target(%arg9 : memref<10000xi32, #tpu.memory_space<vmem>>) target_semaphore(%arg20 : memref<!tpu.dma_semaphore, #tpu.memory_space<semaphore_mem>>)
      %add3A_84 = arith.constant 0 : i32
      %add3A_85 = arith.addi %mul3A_2, %add3A_84 : i32
      %dma_start3A_86 = tpu.memref_slice %arg5[%add3A_85] : memref<320000xi32, #tpu.memory_space<hbm>> -> memref<10000xi32, #tpu.memory_space<hbm>>
      %dma_start3A_87 = tpu.memref_slice %arg5[%add3A_85] : memref<320000xi32, #tpu.memory_space<hbm>> -> memref<10000xi32, #tpu.memory_space<hbm>>
      tpu.enqueue_dma source(%dma_start3A_87 : memref<10000xi32, #tpu.memory_space<hbm>>) target(%arg10 : memref<10000xi32, #tpu.memory_space<vmem>>) target_semaphore(%arg20 : memref<!tpu.dma_semaphore, #tpu.memory_space<semaphore_mem>>)
      %add3A_88 = arith.constant 10000 : i32
      %add3A_89 = arith.addi %mul3A_2, %add3A_88 : i32
      %dma_start3A_90 = tpu.memref_slice %arg5[%add3A_89] : memref<320000xi32, #tpu.memory_space<hbm>> -> memref<10000xi32, #tpu.memory_space<hbm>>
      %dma_start3A_91 = tpu.memref_slice %arg5[%add3A_89] : memref<320000xi32, #tpu.memory_space<hbm>> -> memref<10000xi32, #tpu.memory_space<hbm>>
      tpu.enqueue_dma source(%dma_start3A_91 : memref<10000xi32, #tpu.memory_space<hbm>>) target(%arg11 : memref<10000xi32, #tpu.memory_space<vmem>>) target_semaphore(%arg20 : memref<!tpu.dma_semaphore, #tpu.memory_space<semaphore_mem>>)
      %mul3A_92 = arith.constant 2 : i32
      %mul3A_93 = arith.muli %mul3A_92, %arg0 : i32
      %mul3A_94 = arith.constant 10240 : i32
      %mul3A_95 = arith.muli %mul3A_93, %mul3A_94 : i32
      %dma_start3A_96 = tpu.memref_slice %arg6[%mul3A_95] : memref<40960xf32, #tpu.memory_space<hbm>> -> memref<20480xf32, #tpu.memory_space<hbm>>
      %dma_start3A_97 = tpu.memref_slice %arg6[%mul3A_95] : memref<40960xf32, #tpu.memory_space<hbm>> -> memref<20480xf32, #tpu.memory_space<hbm>>
      tpu.enqueue_dma source(%dma_start3A_97 : memref<20480xf32, #tpu.memory_space<hbm>>) target(%arg14 : memref<20480xf32, #tpu.memory_space<vmem>>) target_semaphore(%arg20 : memref<!tpu.dma_semaphore, #tpu.memory_space<semaphore_mem>>)
      %dma_wait3A_98 = tpu.memref_slice %arg4[%add3A_77] : memref<320000xi32, #tpu.memory_space<hbm>> -> memref<10000xi32, #tpu.memory_space<hbm>>
      %dma_wait3A_99 = tpu.memref_slice %arg4[%add3A_77] : memref<320000xi32, #tpu.memory_space<hbm>> -> memref<10000xi32, #tpu.memory_space<hbm>>
      tpu.wait_dma2 semaphore(%arg20 : memref<!tpu.dma_semaphore, #tpu.memory_space<semaphore_mem>>) src(%dma_wait3A_99 : memref<10000xi32, #tpu.memory_space<hbm>>) dst(%arg8 : memref<10000xi32, #tpu.memory_space<vmem>>)
      %dma_wait3A_100 = tpu.memref_slice %arg4[%add3A_81] : memref<320000xi32, #tpu.memory_space<hbm>> -> memref<10000xi32, #tpu.memory_space<hbm>>
      %dma_wait3A_101 = tpu.memref_slice %arg4[%add3A_81] : memref<320000xi32, #tpu.memory_space<hbm>> -> memref<10000xi32, #tpu.memory_space<hbm>>
      tpu.wait_dma2 semaphore(%arg20 : memref<!tpu.dma_semaphore, #tpu.memory_space<semaphore_mem>>) src(%dma_wait3A_101 : memref<10000xi32, #tpu.memory_space<hbm>>) dst(%arg9 : memref<10000xi32, #tpu.memory_space<vmem>>)
      %dma_wait3A_102 = tpu.memref_slice %arg5[%add3A_85] : memref<320000xi32, #tpu.memory_space<hbm>> -> memref<10000xi32, #tpu.memory_space<hbm>>
      %dma_wait3A_103 = tpu.memref_slice %arg5[%add3A_85] : memref<320000xi32, #tpu.memory_space<hbm>> -> memref<10000xi32, #tpu.memory_space<hbm>>
      tpu.wait_dma2 semaphore(%arg20 : memref<!tpu.dma_semaphore, #tpu.memory_space<semaphore_mem>>) src(%dma_wait3A_103 : memref<10000xi32, #tpu.memory_space<hbm>>) dst(%arg10 : memref<10000xi32, #tpu.memory_space<vmem>>)
      %dma_wait3A_104 = tpu.memref_slice %arg5[%add3A_89] : memref<320000xi32, #tpu.memory_space<hbm>> -> memref<10000xi32, #tpu.memory_space<hbm>>
      %dma_wait3A_105 = tpu.memref_slice %arg5[%add3A_89] : memref<320000xi32, #tpu.memory_space<hbm>> -> memref<10000xi32, #tpu.memory_space<hbm>>
      tpu.wait_dma2 semaphore(%arg20 : memref<!tpu.dma_semaphore, #tpu.memory_space<semaphore_mem>>) src(%dma_wait3A_105 : memref<10000xi32, #tpu.memory_space<hbm>>) dst(%arg11 : memref<10000xi32, #tpu.memory_space<vmem>>)
      %dma_wait3A_106 = tpu.memref_slice %arg6[%mul3A_95] : memref<40960xf32, #tpu.memory_space<hbm>> -> memref<20480xf32, #tpu.memory_space<hbm>>
      %dma_wait3A_107 = tpu.memref_slice %arg6[%mul3A_95] : memref<40960xf32, #tpu.memory_space<hbm>> -> memref<20480xf32, #tpu.memory_space<hbm>>
      tpu.wait_dma2 semaphore(%arg20 : memref<!tpu.dma_semaphore, #tpu.memory_space<semaphore_mem>>) src(%dma_wait3A_107 : memref<20480xf32, #tpu.memory_space<hbm>>) dst(%arg14 : memref<20480xf32, #tpu.memory_space<vmem>>)
    } else {
    }
    %barrier3A = arith.constant 0 : index
    tpu.barrier barrier_id(%barrier3A)
    %scan3A = arith.constant 0 : i32
    %scan3A_13 = arith.constant 0 : i32
    %scan3A_14 = arith.constant 125 : i32
    %scan3A_15 = arith.addi %scan3A_13, %scan3A_14 : i32
    %scan3A_16 = arith.constant 1 : i32
    scf.for %scan3A_77 = %scan3A_13 to %scan3A_15 step %scan3A_16  : i32 {
      %mul3A_78 = arith.constant 5 : i32
      %mul3A_79 = arith.muli %scan3A_77, %mul3A_78 : i32
      %add3A = arith.constant 0 : i32
      %add3A_80 = arith.addi %mul3A_79, %add3A : i32
      %mul3A_81 = arith.constant 16 : i32
      %mul3A_82 = arith.muli %add3A_80, %mul3A_81 : i32
      %get3A = arith.index_cast %mul3A_82 : i32 to index
      %get3A_83 = tpu.vector_load %arg8[%get3A] {strides = array<i32>} : memref<10000xi32, #tpu.memory_space<vmem>>, vector<16xi32>,
      %gather3A = tpu.vector_load_idx %arg14[%get3A_83] : memref<20480xf32, #tpu.memory_space<vmem>>[vector<16xi32>], vector<16xf32>,
      %get3A_84 = arith.index_cast %mul3A_82 : i32 to index
      %get3A_85 = tpu.vector_load %arg10[%get3A_84] {strides = array<i32>} : memref<10000xi32, #tpu.memory_space<vmem>>, vector<16xi32>,
      %add3A_86 = arith.constant 10240 : i32
      %add3A_87 = vector.broadcast %add3A_86 : i32 to vector<16xi32>
      %add3A_88 = arith.addi %get3A_85, %add3A_87 : vector<16xi32>
      %gather3A_89 = tpu.vector_load_idx %arg14[%add3A_88] : memref<20480xf32, #tpu.memory_space<vmem>>[vector<16xi32>], vector<16xf32>,
      %add3A_90 = arith.addf %gather3A, %gather3A_89 : vector<16xf32>
      %mul3A_91 = arith.constant 2.000000e-01 : f32
      %mul3A_92 = vector.broadcast %mul3A_91 : f32 to vector<16xf32>
      %mul3A_93 = arith.mulf %add3A_90, %mul3A_92 : vector<16xf32>
      %max3A = arith.maximumf %add3A_90, %mul3A_93 : vector<16xf32>
      %exp3A = math.exp %max3A : vector<16xf32>
      %swap3A = arith.index_cast %mul3A_82 : i32 to index
      %swap3A_94 = tpu.vector_load %arg12[%swap3A] {strides = array<i32>} : memref<10000xf32, #tpu.memory_space<vmem>>, vector<16xf32>,
      tpu.vector_store %arg12[%swap3A], %exp3A {strides = array<i32>} : memref<10000xf32, #tpu.memory_space<vmem>>, vector<16xf32>,
      %mul3A_95 = arith.constant 5 : i32
      %mul3A_96 = arith.muli %scan3A_77, %mul3A_95 : i32
      %add3A_97 = arith.constant 1 : i32
      %add3A_98 = arith.addi %mul3A_96, %add3A_97 : i32
      %mul3A_99 = arith.constant 16 : i32
      %mul3A_100 = arith.muli %add3A_98, %mul3A_99 : i32
      %get3A_101 = arith.index_cast %mul3A_100 : i32 to index
      %get3A_102 = tpu.vector_load %arg8[%get3A_101] {strides = array<i32>} : memref<10000xi32, #tpu.memory_space<vmem>>, vector<16xi32>,
      %gather3A_103 = tpu.vector_load_idx %arg14[%get3A_102] : memref<20480xf32, #tpu.memory_space<vmem>>[vector<16xi32>], vector<16xf32>,
      %get3A_104 = arith.index_cast %mul3A_100 : i32 to index
      %get3A_105 = tpu.vector_load %arg10[%get3A_104] {strides = array<i32>} : memref<10000xi32, #tpu.memory_space<vmem>>, vector<16xi32>,
      %add3A_106 = arith.constant 10240 : i32
      %add3A_107 = vector.broadcast %add3A_106 : i32 to vector<16xi32>
      %add3A_108 = arith.addi %get3A_105, %add3A_107 : vector<16xi32>
      %gather3A_109 = tpu.vector_load_idx %arg14[%add3A_108] : memref<20480xf32, #tpu.memory_space<vmem>>[vector<16xi32>], vector<16xf32>,
      %add3A_110 = arith.addf %gather3A_103, %gather3A_109 : vector<16xf32>
      %mul3A_111 = arith.constant 2.000000e-01 : f32
      %mul3A_112 = vector.broadcast %mul3A_111 : f32 to vector<16xf32>
      %mul3A_113 = arith.mulf %add3A_110, %mul3A_112 : vector<16xf32>
      %max3A_114 = arith.maximumf %add3A_110, %mul3A_113 : vector<16xf32>
      %exp3A_115 = math.exp %max3A_114 : vector<16xf32>
      %swap3A_116 = arith.index_cast %mul3A_100 : i32 to index
      %swap3A_117 = tpu.vector_load %arg12[%swap3A_116] {strides = array<i32>} : memref<10000xf32, #tpu.memory_space<vmem>>, vector<16xf32>,
      tpu.vector_store %arg12[%swap3A_116], %exp3A_115 {strides = array<i32>} : memref<10000xf32, #tpu.memory_space<vmem>>, vector<16xf32>,
      %mul3A_118 = arith.constant 5 : i32
      %mul3A_119 = arith.muli %scan3A_77, %mul3A_118 : i32
      %add3A_120 = arith.constant 2 : i32
      %add3A_121 = arith.addi %mul3A_119, %add3A_120 : i32
      %mul3A_122 = arith.constant 16 : i32
      %mul3A_123 = arith.muli %add3A_121, %mul3A_122 : i32
      %get3A_124 = arith.index_cast %mul3A_123 : i32 to index
      %get3A_125 = tpu.vector_load %arg8[%get3A_124] {strides = array<i32>} : memref<10000xi32, #tpu.memory_space<vmem>>, vector<16xi32>,
      %gather3A_126 = tpu.vector_load_idx %arg14[%get3A_125] : memref<20480xf32, #tpu.memory_space<vmem>>[vector<16xi32>], vector<16xf32>,
      %get3A_127 = arith.index_cast %mul3A_123 : i32 to index
      %get3A_128 = tpu.vector_load %arg10[%get3A_127] {strides = array<i32>} : memref<10000xi32, #tpu.memory_space<vmem>>, vector<16xi32>,
      %add3A_129 = arith.constant 10240 : i32
      %add3A_130 = vector.broadcast %add3A_129 : i32 to vector<16xi32>
      %add3A_131 = arith.addi %get3A_128, %add3A_130 : vector<16xi32>
      %gather3A_132 = tpu.vector_load_idx %arg14[%add3A_131] : memref<20480xf32, #tpu.memory_space<vmem>>[vector<16xi32>], vector<16xf32>,
      %add3A_133 = arith.addf %gather3A_126, %gather3A_132 : vector<16xf32>
      %mul3A_134 = arith.constant 2.000000e-01 : f32
      %mul3A_135 = vector.broadcast %mul3A_134 : f32 to vector<16xf32>
      %mul3A_136 = arith.mulf %add3A_133, %mul3A_135 : vector<16xf32>
      %max3A_137 = arith.maximumf %add3A_133, %mul3A_136 : vector<16xf32>
      %exp3A_138 = math.exp %max3A_137 : vector<16xf32>
      %swap3A_139 = arith.index_cast %mul3A_123 : i32 to index
      %swap3A_140 = tpu.vector_load %arg12[%swap3A_139] {strides = array<i32>} : memref<10000xf32, #tpu.memory_space<vmem>>, vector<16xf32>,
      tpu.vector_store %arg12[%swap3A_139], %exp3A_138 {strides = array<i32>} : memref<10000xf32, #tpu.memory_space<vmem>>, vector<16xf32>,
      %mul3A_141 = arith.constant 5 : i32
      %mul3A_142 = arith.muli %scan3A_77, %mul3A_141 : i32
      %add3A_143 = arith.constant 3 : i32
      %add3A_144 = arith.addi %mul3A_142, %add3A_143 : i32
      %mul3A_145 = arith.constant 16 : i32
      %mul3A_146 = arith.muli %add3A_144, %mul3A_145 : i32
      %get3A_147 = arith.index_cast %mul3A_146 : i32 to index
      %get3A_148 = tpu.vector_load %arg8[%get3A_147] {strides = array<i32>} : memref<10000xi32, #tpu.memory_space<vmem>>, vector<16xi32>,
      %gather3A_149 = tpu.vector_load_idx %arg14[%get3A_148] : memref<20480xf32, #tpu.memory_space<vmem>>[vector<16xi32>], vector<16xf32>,
      %get3A_150 = arith.index_cast %mul3A_146 : i32 to index
      %get3A_151 = tpu.vector_load %arg10[%get3A_150] {strides = array<i32>} : memref<10000xi32, #tpu.memory_space<vmem>>, vector<16xi32>,
      %add3A_152 = arith.constant 10240 : i32
      %add3A_153 = vector.broadcast %add3A_152 : i32 to vector<16xi32>
      %add3A_154 = arith.addi %get3A_151, %add3A_153 : vector<16xi32>
      %gather3A_155 = tpu.vector_load_idx %arg14[%add3A_154] : memref<20480xf32, #tpu.memory_space<vmem>>[vector<16xi32>], vector<16xf32>,
      %add3A_156 = arith.addf %gather3A_149, %gather3A_155 : vector<16xf32>
      %mul3A_157 = arith.constant 2.000000e-01 : f32
      %mul3A_158 = vector.broadcast %mul3A_157 : f32 to vector<16xf32>
      %mul3A_159 = arith.mulf %add3A_156, %mul3A_158 : vector<16xf32>
      %max3A_160 = arith.maximumf %add3A_156, %mul3A_159 : vector<16xf32>
      %exp3A_161 = math.exp %max3A_160 : vector<16xf32>
      %swap3A_162 = arith.index_cast %mul3A_146 : i32 to index
      %swap3A_163 = tpu.vector_load %arg12[%swap3A_162] {strides = array<i32>} : memref<10000xf32, #tpu.memory_space<vmem>>, vector<16xf32>,
      tpu.vector_store %arg12[%swap3A_162], %exp3A_161 {strides = array<i32>} : memref<10000xf32, #tpu.memory_space<vmem>>, vector<16xf32>,
      %mul3A_164 = arith.constant 5 : i32
      %mul3A_165 = arith.muli %scan3A_77, %mul3A_164 : i32
      %add3A_166 = arith.constant 4 : i32
      %add3A_167 = arith.addi %mul3A_165, %add3A_166 : i32
      %mul3A_168 = arith.constant 16 : i32
      %mul3A_169 = arith.muli %add3A_167, %mul3A_168 : i32
      %get3A_170 = arith.index_cast %mul3A_169 : i32 to index
      %get3A_171 = tpu.vector_load %arg8[%get3A_170] {strides = array<i32>} : memref<10000xi32, #tpu.memory_space<vmem>>, vector<16xi32>,
      %gather3A_172 = tpu.vector_load_idx %arg14[%get3A_171] : memref<20480xf32, #tpu.memory_space<vmem>>[vector<16xi32>], vector<16xf32>,
      %get3A_173 = arith.index_cast %mul3A_169 : i32 to index
      %get3A_174 = tpu.vector_load %arg10[%get3A_173] {strides = array<i32>} : memref<10000xi32, #tpu.memory_space<vmem>>, vector<16xi32>,
      %add3A_175 = arith.constant 10240 : i32
      %add3A_176 = vector.broadcast %add3A_175 : i32 to vector<16xi32>
      %add3A_177 = arith.addi %get3A_174, %add3A_176 : vector<16xi32>
      %gather3A_178 = tpu.vector_load_idx %arg14[%add3A_177] : memref<20480xf32, #tpu.memory_space<vmem>>[vector<16xi32>], vector<16xf32>,
      %add3A_179 = arith.addf %gather3A_172, %gather3A_178 : vector<16xf32>
      %mul3A_180 = arith.constant 2.000000e-01 : f32
      %mul3A_181 = vector.broadcast %mul3A_180 : f32 to vector<16xf32>
      %mul3A_182 = arith.mulf %add3A_179, %mul3A_181 : vector<16xf32>
      %max3A_183 = arith.maximumf %add3A_179, %mul3A_182 : vector<16xf32>
      %exp3A_184 = math.exp %max3A_183 : vector<16xf32>
      %swap3A_185 = arith.index_cast %mul3A_169 : i32 to index
      %swap3A_186 = tpu.vector_load %arg12[%swap3A_185] {strides = array<i32>} : memref<10000xf32, #tpu.memory_space<vmem>>, vector<16xf32>,
      tpu.vector_store %arg12[%swap3A_185], %exp3A_184 {strides = array<i32>} : memref<10000xf32, #tpu.memory_space<vmem>>, vector<16xf32>,
    }
    %scan3A_17 = arith.constant 125 : i32
    %dma_start3A = arith.constant 0 : i32
    %dma_start3A_18 = tpu.memref_slice %arg18[%dma_start3A] : memref<10240xf32, #tpu.memory_space<vmem_shared>> -> memref<10240xf32, #tpu.memory_space<vmem_shared>>
    tpu.enqueue_indirect_dma source(%arg12 : memref<10000xf32, #tpu.memory_space<vmem>>) target(%dma_start3A_18 : memref<10240xf32, #tpu.memory_space<vmem_shared>>) offsets(%arg10 : memref<10000xi32, #tpu.memory_space<vmem>>) semaphore(%arg20 : memref<!tpu.dma_semaphore, #tpu.memory_space<semaphore_mem>>) {add = true}
    %scan3A_19 = arith.constant 0 : i32
    %scan3A_20 = arith.constant 0 : i32
    %scan3A_21 = arith.constant 125 : i32
    %scan3A_22 = arith.addi %scan3A_20, %scan3A_21 : i32
    %scan3A_23 = arith.constant 1 : i32
    scf.for %scan3A_77 = %scan3A_20 to %scan3A_22 step %scan3A_23  : i32 {
      %mul3A_78 = arith.constant 5 : i32
      %mul3A_79 = arith.muli %scan3A_77, %mul3A_78 : i32
      %add3A = arith.constant 0 : i32
      %add3A_80 = arith.addi %mul3A_79, %add3A : i32
      %mul3A_81 = arith.constant 16 : i32
      %mul3A_82 = arith.muli %add3A_80, %mul3A_81 : i32
      %get3A = arith.index_cast %mul3A_82 : i32 to index
      %get3A_83 = tpu.vector_load %arg9[%get3A] {strides = array<i32>} : memref<10000xi32, #tpu.memory_space<vmem>>, vector<16xi32>,
      %gather3A = tpu.vector_load_idx %arg14[%get3A_83] : memref<20480xf32, #tpu.memory_space<vmem>>[vector<16xi32>], vector<16xf32>,
      %get3A_84 = arith.index_cast %mul3A_82 : i32 to index
      %get3A_85 = tpu.vector_load %arg11[%get3A_84] {strides = array<i32>} : memref<10000xi32, #tpu.memory_space<vmem>>, vector<16xi32>,
      %add3A_86 = arith.constant 10240 : i32
      %add3A_87 = vector.broadcast %add3A_86 : i32 to vector<16xi32>
      %add3A_88 = arith.addi %get3A_85, %add3A_87 : vector<16xi32>
      %gather3A_89 = tpu.vector_load_idx %arg14[%add3A_88] : memref<20480xf32, #tpu.memory_space<vmem>>[vector<16xi32>], vector<16xf32>,
      %add3A_90 = arith.addf %gather3A, %gather3A_89 : vector<16xf32>
      %mul3A_91 = arith.constant 2.000000e-01 : f32
      %mul3A_92 = vector.broadcast %mul3A_91 : f32 to vector<16xf32>
      %mul3A_93 = arith.mulf %add3A_90, %mul3A_92 : vector<16xf32>
      %max3A = arith.maximumf %add3A_90, %mul3A_93 : vector<16xf32>
      %exp3A = math.exp %max3A : vector<16xf32>
      %swap3A = arith.index_cast %mul3A_82 : i32 to index
      %swap3A_94 = tpu.vector_load %arg13[%swap3A] {strides = array<i32>} : memref<10000xf32, #tpu.memory_space<vmem>>, vector<16xf32>,
      tpu.vector_store %arg13[%swap3A], %exp3A {strides = array<i32>} : memref<10000xf32, #tpu.memory_space<vmem>>, vector<16xf32>,
      %mul3A_95 = arith.constant 5 : i32
      %mul3A_96 = arith.muli %scan3A_77, %mul3A_95 : i32
      %add3A_97 = arith.constant 1 : i32
      %add3A_98 = arith.addi %mul3A_96, %add3A_97 : i32
      %mul3A_99 = arith.constant 16 : i32
      %mul3A_100 = arith.muli %add3A_98, %mul3A_99 : i32
      %get3A_101 = arith.index_cast %mul3A_100 : i32 to index
      %get3A_102 = tpu.vector_load %arg9[%get3A_101] {strides = array<i32>} : memref<10000xi32, #tpu.memory_space<vmem>>, vector<16xi32>,
      %gather3A_103 = tpu.vector_load_idx %arg14[%get3A_102] : memref<20480xf32, #tpu.memory_space<vmem>>[vector<16xi32>], vector<16xf32>,
      %get3A_104 = arith.index_cast %mul3A_100 : i32 to index
      %get3A_105 = tpu.vector_load %arg11[%get3A_104] {strides = array<i32>} : memref<10000xi32, #tpu.memory_space<vmem>>, vector<16xi32>,
      %add3A_106 = arith.constant 10240 : i32
      %add3A_107 = vector.broadcast %add3A_106 : i32 to vector<16xi32>
      %add3A_108 = arith.addi %get3A_105, %add3A_107 : vector<16xi32>
      %gather3A_109 = tpu.vector_load_idx %arg14[%add3A_108] : memref<20480xf32, #tpu.memory_space<vmem>>[vector<16xi32>], vector<16xf32>,
      %add3A_110 = arith.addf %gather3A_103, %gather3A_109 : vector<16xf32>
      %mul3A_111 = arith.constant 2.000000e-01 : f32
      %mul3A_112 = vector.broadcast %mul3A_111 : f32 to vector<16xf32>
      %mul3A_113 = arith.mulf %add3A_110, %mul3A_112 : vector<16xf32>
      %max3A_114 = arith.maximumf %add3A_110, %mul3A_113 : vector<16xf32>
      %exp3A_115 = math.exp %max3A_114 : vector<16xf32>
      %swap3A_116 = arith.index_cast %mul3A_100 : i32 to index
      %swap3A_117 = tpu.vector_load %arg13[%swap3A_116] {strides = array<i32>} : memref<10000xf32, #tpu.memory_space<vmem>>, vector<16xf32>,
      tpu.vector_store %arg13[%swap3A_116], %exp3A_115 {strides = array<i32>} : memref<10000xf32, #tpu.memory_space<vmem>>, vector<16xf32>,
      %mul3A_118 = arith.constant 5 : i32
      %mul3A_119 = arith.muli %scan3A_77, %mul3A_118 : i32
      %add3A_120 = arith.constant 2 : i32
      %add3A_121 = arith.addi %mul3A_119, %add3A_120 : i32
      %mul3A_122 = arith.constant 16 : i32
      %mul3A_123 = arith.muli %add3A_121, %mul3A_122 : i32
      %get3A_124 = arith.index_cast %mul3A_123 : i32 to index
      %get3A_125 = tpu.vector_load %arg9[%get3A_124] {strides = array<i32>} : memref<10000xi32, #tpu.memory_space<vmem>>, vector<16xi32>,
      %gather3A_126 = tpu.vector_load_idx %arg14[%get3A_125] : memref<20480xf32, #tpu.memory_space<vmem>>[vector<16xi32>], vector<16xf32>,
      %get3A_127 = arith.index_cast %mul3A_123 : i32 to index
      %get3A_128 = tpu.vector_load %arg11[%get3A_127] {strides = array<i32>} : memref<10000xi32, #tpu.memory_space<vmem>>, vector<16xi32>,
      %add3A_129 = arith.constant 10240 : i32
      %add3A_130 = vector.broadcast %add3A_129 : i32 to vector<16xi32>
      %add3A_131 = arith.addi %get3A_128, %add3A_130 : vector<16xi32>
      %gather3A_132 = tpu.vector_load_idx %arg14[%add3A_131] : memref<20480xf32, #tpu.memory_space<vmem>>[vector<16xi32>], vector<16xf32>,
      %add3A_133 = arith.addf %gather3A_126, %gather3A_132 : vector<16xf32>
      %mul3A_134 = arith.constant 2.000000e-01 : f32
      %mul3A_135 = vector.broadcast %mul3A_134 : f32 to vector<16xf32>
      %mul3A_136 = arith.mulf %add3A_133, %mul3A_135 : vector<16xf32>
      %max3A_137 = arith.maximumf %add3A_133, %mul3A_136 : vector<16xf32>
      %exp3A_138 = math.exp %max3A_137 : vector<16xf32>
      %swap3A_139 = arith.index_cast %mul3A_123 : i32 to index
      %swap3A_140 = tpu.vector_load %arg13[%swap3A_139] {strides = array<i32>} : memref<10000xf32, #tpu.memory_space<vmem>>, vector<16xf32>,
      tpu.vector_store %arg13[%swap3A_139], %exp3A_138 {strides = array<i32>} : memref<10000xf32, #tpu.memory_space<vmem>>, vector<16xf32>,
      %mul3A_141 = arith.constant 5 : i32
      %mul3A_142 = arith.muli %scan3A_77, %mul3A_141 : i32
      %add3A_143 = arith.constant 3 : i32
      %add3A_144 = arith.addi %mul3A_142, %add3A_143 : i32
      %mul3A_145 = arith.constant 16 : i32
      %mul3A_146 = arith.muli %add3A_144, %mul3A_145 : i32
      %get3A_147 = arith.index_cast %mul3A_146 : i32 to index
      %get3A_148 = tpu.vector_load %arg9[%get3A_147] {strides = array<i32>} : memref<10000xi32, #tpu.memory_space<vmem>>, vector<16xi32>,
      %gather3A_149 = tpu.vector_load_idx %arg14[%get3A_148] : memref<20480xf32, #tpu.memory_space<vmem>>[vector<16xi32>], vector<16xf32>,
      %get3A_150 = arith.index_cast %mul3A_146 : i32 to index
      %get3A_151 = tpu.vector_load %arg11[%get3A_150] {strides = array<i32>} : memref<10000xi32, #tpu.memory_space<vmem>>, vector<16xi32>,
      %add3A_152 = arith.constant 10240 : i32
      %add3A_153 = vector.broadcast %add3A_152 : i32 to vector<16xi32>
      %add3A_154 = arith.addi %get3A_151, %add3A_153 : vector<16xi32>
      %gather3A_155 = tpu.vector_load_idx %arg14[%add3A_154] : memref<20480xf32, #tpu.memory_space<vmem>>[vector<16xi32>], vector<16xf32>,
      %add3A_156 = arith.addf %gather3A_149, %gather3A_155 : vector<16xf32>
      %mul3A_157 = arith.constant 2.000000e-01 : f32
      %mul3A_158 = vector.broadcast %mul3A_157 : f32 to vector<16xf32>
      %mul3A_159 = arith.mulf %add3A_156, %mul3A_158 : vector<16xf32>
      %max3A_160 = arith.maximumf %add3A_156, %mul3A_159 : vector<16xf32>
      %exp3A_161 = math.exp %max3A_160 : vector<16xf32>
      %swap3A_162 = arith.index_cast %mul3A_146 : i32 to index
      %swap3A_163 = tpu.vector_load %arg13[%swap3A_162] {strides = array<i32>} : memref<10000xf32, #tpu.memory_space<vmem>>, vector<16xf32>,
      tpu.vector_store %arg13[%swap3A_162], %exp3A_161 {strides = array<i32>} : memref<10000xf32, #tpu.memory_space<vmem>>, vector<16xf32>,
      %mul3A_164 = arith.constant 5 : i32
      %mul3A_165 = arith.muli %scan3A_77, %mul3A_164 : i32
      %add3A_166 = arith.constant 4 : i32
      %add3A_167 = arith.addi %mul3A_165, %add3A_166 : i32
      %mul3A_168 = arith.constant 16 : i32
      %mul3A_169 = arith.muli %add3A_167, %mul3A_168 : i32
      %get3A_170 = arith.index_cast %mul3A_169 : i32 to index
      %get3A_171 = tpu.vector_load %arg9[%get3A_170] {strides = array<i32>} : memref<10000xi32, #tpu.memory_space<vmem>>, vector<16xi32>,
      %gather3A_172 = tpu.vector_load_idx %arg14[%get3A_171] : memref<20480xf32, #tpu.memory_space<vmem>>[vector<16xi32>], vector<16xf32>,
      %get3A_173 = arith.index_cast %mul3A_169 : i32 to index
      %get3A_174 = tpu.vector_load %arg11[%get3A_173] {strides = array<i32>} : memref<10000xi32, #tpu.memory_space<vmem>>, vector<16xi32>,
      %add3A_175 = arith.constant 10240 : i32
      %add3A_176 = vector.broadcast %add3A_175 : i32 to vector<16xi32>
      %add3A_177 = arith.addi %get3A_174, %add3A_176 : vector<16xi32>
      %gather3A_178 = tpu.vector_load_idx %arg14[%add3A_177] : memref<20480xf32, #tpu.memory_space<vmem>>[vector<16xi32>], vector<16xf32>,
      %add3A_179 = arith.addf %gather3A_172, %gather3A_178 : vector<16xf32>
      %mul3A_180 = arith.constant 2.000000e-01 : f32
      %mul3A_181 = vector.broadcast %mul3A_180 : f32 to vector<16xf32>
      %mul3A_182 = arith.mulf %add3A_179, %mul3A_181 : vector<16xf32>
      %max3A_183 = arith.maximumf %add3A_179, %mul3A_182 : vector<16xf32>
      %exp3A_184 = math.exp %max3A_183 : vector<16xf32>
      %swap3A_185 = arith.index_cast %mul3A_169 : i32 to index
      %swap3A_186 = tpu.vector_load %arg13[%swap3A_185] {strides = array<i32>} : memref<10000xf32, #tpu.memory_space<vmem>>, vector<16xf32>,
      tpu.vector_store %arg13[%swap3A_185], %exp3A_184 {strides = array<i32>} : memref<10000xf32, #tpu.memory_space<vmem>>, vector<16xf32>,
    }
    %scan3A_24 = arith.constant 125 : i32
    %dma_start3A_25 = arith.constant 0 : i32
    %dma_start3A_26 = tpu.memref_slice %arg18[%dma_start3A_25] : memref<10240xf32, #tpu.memory_space<vmem_shared>> -> memref<10240xf32, #tpu.memory_space<vmem_shared>>
    tpu.enqueue_indirect_dma source(%arg13 : memref<10000xf32, #tpu.memory_space<vmem>>) target(%dma_start3A_26 : memref<10240xf32, #tpu.memory_space<vmem_shared>>) offsets(%arg11 : memref<10000xi32, #tpu.memory_space<vmem>>) semaphore(%arg20 : memref<!tpu.dma_semaphore, #tpu.memory_space<semaphore_mem>>) {add = true}
    %scan3A_27 = arith.constant 0 : i32
    %scan3A_28 = arith.constant 0 : i32
    %scan3A_29 = arith.constant 40 : i32
    %scan3A_30 = arith.addi %scan3A_28, %scan3A_29 : i32
    %scan3A_31 = arith.constant 1 : i32
    scf.for %scan3A_77 = %scan3A_28 to %scan3A_30 step %scan3A_31  : i32 {
      %mul3A_78 = arith.constant 16 : i32
      %mul3A_79 = arith.muli %scan3A_77, %mul3A_78 : i32
      %mul3A_80 = arith.constant 640 : i32
      %mul3A_81 = arith.muli %arg1, %mul3A_80 : i32
      %mul3A_82 = arith.constant 16 : i32
      %mul3A_83 = arith.muli %scan3A_77, %mul3A_82 : i32
      %add3A = arith.addi %mul3A_81, %mul3A_83 : i32
      %add3A_84 = vector.broadcast %add3A : i32 to vector<16xi32>
      %add3A_85 = arith.addi %add3A_84, %iota3A : vector<16xi32>
      %swap3A = arith.index_cast %mul3A_79 : i32 to index
      %swap3A_86 = tpu.vector_load %arg17[%swap3A] {strides = array<i32>} : memref<640xi32, #tpu.memory_space<vmem>>, vector<16xi32>,
      tpu.vector_store %arg17[%swap3A], %add3A_85 {strides = array<i32>} : memref<640xi32, #tpu.memory_space<vmem>>, vector<16xi32>,
      %gather3A = tpu.vector_load_idx %arg14[%add3A_85] : memref<20480xf32, #tpu.memory_space<vmem>>[vector<16xi32>], vector<16xf32>,
      %add3A_87 = arith.constant 10240 : i32
      %add3A_88 = vector.broadcast %add3A_87 : i32 to vector<16xi32>
      %add3A_89 = arith.addi %add3A_85, %add3A_88 : vector<16xi32>
      %gather3A_90 = tpu.vector_load_idx %arg14[%add3A_89] : memref<20480xf32, #tpu.memory_space<vmem>>[vector<16xi32>], vector<16xf32>,
      %add3A_91 = arith.addf %gather3A, %gather3A_90 : vector<16xf32>
      %mul3A_92 = arith.constant 2.000000e-01 : f32
      %mul3A_93 = vector.broadcast %mul3A_92 : f32 to vector<16xf32>
      %mul3A_94 = arith.mulf %add3A_91, %mul3A_93 : vector<16xf32>
      %max3A = arith.maximumf %add3A_91, %mul3A_94 : vector<16xf32>
      %exp3A = math.exp %max3A : vector<16xf32>
      %swap3A_95 = arith.index_cast %mul3A_79 : i32 to index
      %swap3A_96 = tpu.vector_load %arg16[%swap3A_95] {strides = array<i32>} : memref<640xf32, #tpu.memory_space<vmem>>, vector<16xf32>,
      tpu.vector_store %arg16[%swap3A_95], %exp3A {strides = array<i32>} : memref<640xf32, #tpu.memory_space<vmem>>, vector<16xf32>,
    }
    %scan3A_32 = arith.constant 40 : i32
    %dma_start3A_33 = arith.constant 0 : i32
    %dma_start3A_34 = tpu.memref_slice %arg18[%dma_start3A_33] : memref<10240xf32, #tpu.memory_space<vmem_shared>> -> memref<10240xf32, #tpu.memory_space<vmem_shared>>
    tpu.enqueue_indirect_dma source(%arg16 : memref<640xf32, #tpu.memory_space<vmem>>) target(%dma_start3A_34 : memref<10240xf32, #tpu.memory_space<vmem_shared>>) offsets(%arg17 : memref<640xi32, #tpu.memory_space<vmem>>) semaphore(%arg20 : memref<!tpu.dma_semaphore, #tpu.memory_space<semaphore_mem>>) {add = true}
    %dma_wait3A = arith.constant 0 : i32
    %dma_wait3A_35 = tpu.memref_slice %arg18[%dma_wait3A] : memref<10240xf32, #tpu.memory_space<vmem_shared>> -> memref<10240xf32, #tpu.memory_space<vmem_shared>>
    tpu.wait_indirect_dma semaphore(%arg20 : memref<!tpu.dma_semaphore, #tpu.memory_space<semaphore_mem>>) src(%arg12 : memref<10000xf32, #tpu.memory_space<vmem>>) dst(%dma_wait3A_35 : memref<10240xf32, #tpu.memory_space<vmem_shared>>)
    %dma_wait3A_36 = arith.constant 0 : i32
    %dma_wait3A_37 = tpu.memref_slice %arg18[%dma_wait3A_36] : memref<10240xf32, #tpu.memory_space<vmem_shared>> -> memref<10240xf32, #tpu.memory_space<vmem_shared>>
    tpu.wait_indirect_dma semaphore(%arg20 : memref<!tpu.dma_semaphore, #tpu.memory_space<semaphore_mem>>) src(%arg13 : memref<10000xf32, #tpu.memory_space<vmem>>) dst(%dma_wait3A_37 : memref<10240xf32, #tpu.memory_space<vmem_shared>>)
    %dma_wait3A_38 = arith.constant 0 : i32
    %dma_wait3A_39 = tpu.memref_slice %arg18[%dma_wait3A_38] : memref<10240xf32, #tpu.memory_space<vmem_shared>> -> memref<10240xf32, #tpu.memory_space<vmem_shared>>
    tpu.wait_indirect_dma semaphore(%arg20 : memref<!tpu.dma_semaphore, #tpu.memory_space<semaphore_mem>>) src(%arg16 : memref<640xf32, #tpu.memory_space<vmem>>) dst(%dma_wait3A_39 : memref<10240xf32, #tpu.memory_space<vmem_shared>>)
    %barrier3A_40 = arith.constant 0 : index
    tpu.barrier barrier_id(%barrier3A_40)
    "tpu.region"() ({
      %run_scoped3A = tpu.sem_alloc : memref<!tpu.dma_semaphore, #tpu.memory_space<semaphore_mem>>
      tpu.enqueue_dma source(%arg18 : memref<10240xf32, #tpu.memory_space<vmem_shared>>) target(%arg15 : memref<10240xf32, #tpu.memory_space<vmem>>) target_semaphore(%run_scoped3A : memref<!tpu.dma_semaphore, #tpu.memory_space<semaphore_mem>>)
      tpu.wait_dma2 semaphore(%run_scoped3A : memref<!tpu.dma_semaphore, #tpu.memory_space<semaphore_mem>>) src(%arg18 : memref<10240xf32, #tpu.memory_space<vmem_shared>>) dst(%arg15 : memref<10240xf32, #tpu.memory_space<vmem>>)
      tpu.yield
    }) : () -> ()
    %scan3A_41 = arith.constant 0 : i32
    %scan3A_42 = arith.constant 0 : i32
    %scan3A_43 = arith.constant 125 : i32
    %scan3A_44 = arith.addi %scan3A_42, %scan3A_43 : i32
    %scan3A_45 = arith.constant 1 : i32
    scf.for %scan3A_77 = %scan3A_42 to %scan3A_44 step %scan3A_45  : i32 {
      %mul3A_78 = arith.constant 5 : i32
      %mul3A_79 = arith.muli %scan3A_77, %mul3A_78 : i32
      %add3A = arith.constant 0 : i32
      %add3A_80 = arith.addi %mul3A_79, %add3A : i32
      %mul3A_81 = arith.constant 16 : i32
      %mul3A_82 = arith.muli %add3A_80, %mul3A_81 : i32
      %get3A = arith.index_cast %mul3A_82 : i32 to index
      %get3A_83 = tpu.vector_load %arg10[%get3A] {strides = array<i32>} : memref<10000xi32, #tpu.memory_space<vmem>>, vector<16xi32>,
      %gather3A = tpu.vector_load_idx %arg15[%get3A_83] : memref<10240xf32, #tpu.memory_space<vmem>>[vector<16xi32>], vector<16xf32>,
      %get3A_84 = arith.index_cast %mul3A_82 : i32 to index
      %get3A_85 = tpu.vector_load %arg12[%get3A_84] {strides = array<i32>} : memref<10000xf32, #tpu.memory_space<vmem>>, vector<16xf32>,
      %div3A = arith.divf %get3A_85, %gather3A : vector<16xf32>
      %swap3A = arith.index_cast %mul3A_82 : i32 to index
      %swap3A_86 = tpu.vector_load %arg12[%swap3A] {strides = array<i32>} : memref<10000xf32, #tpu.memory_space<vmem>>, vector<16xf32>,
      tpu.vector_store %arg12[%swap3A], %div3A {strides = array<i32>} : memref<10000xf32, #tpu.memory_space<vmem>>, vector<16xf32>,
      %mul3A_87 = arith.constant 5 : i32
      %mul3A_88 = arith.muli %scan3A_77, %mul3A_87 : i32
      %add3A_89 = arith.constant 1 : i32
      %add3A_90 = arith.addi %mul3A_88, %add3A_89 : i32
      %mul3A_91 = arith.constant 16 : i32
      %mul3A_92 = arith.muli %add3A_90, %mul3A_91 : i32
      %get3A_93 = arith.index_cast %mul3A_92 : i32 to index
      %get3A_94 = tpu.vector_load %arg10[%get3A_93] {strides = array<i32>} : memref<10000xi32, #tpu.memory_space<vmem>>, vector<16xi32>,
      %gather3A_95 = tpu.vector_load_idx %arg15[%get3A_94] : memref<10240xf32, #tpu.memory_space<vmem>>[vector<16xi32>], vector<16xf32>,
      %get3A_96 = arith.index_cast %mul3A_92 : i32 to index
      %get3A_97 = tpu.vector_load %arg12[%get3A_96] {strides = array<i32>} : memref<10000xf32, #tpu.memory_space<vmem>>, vector<16xf32>,
      %div3A_98 = arith.divf %get3A_97, %gather3A_95 : vector<16xf32>
      %swap3A_99 = arith.index_cast %mul3A_92 : i32 to index
      %swap3A_100 = tpu.vector_load %arg12[%swap3A_99] {strides = array<i32>} : memref<10000xf32, #tpu.memory_space<vmem>>, vector<16xf32>,
      tpu.vector_store %arg12[%swap3A_99], %div3A_98 {strides = array<i32>} : memref<10000xf32, #tpu.memory_space<vmem>>, vector<16xf32>,
      %mul3A_101 = arith.constant 5 : i32
      %mul3A_102 = arith.muli %scan3A_77, %mul3A_101 : i32
      %add3A_103 = arith.constant 2 : i32
      %add3A_104 = arith.addi %mul3A_102, %add3A_103 : i32
      %mul3A_105 = arith.constant 16 : i32
      %mul3A_106 = arith.muli %add3A_104, %mul3A_105 : i32
      %get3A_107 = arith.index_cast %mul3A_106 : i32 to index
      %get3A_108 = tpu.vector_load %arg10[%get3A_107] {strides = array<i32>} : memref<10000xi32, #tpu.memory_space<vmem>>, vector<16xi32>,
      %gather3A_109 = tpu.vector_load_idx %arg15[%get3A_108] : memref<10240xf32, #tpu.memory_space<vmem>>[vector<16xi32>], vector<16xf32>,
      %get3A_110 = arith.index_cast %mul3A_106 : i32 to index
      %get3A_111 = tpu.vector_load %arg12[%get3A_110] {strides = array<i32>} : memref<10000xf32, #tpu.memory_space<vmem>>, vector<16xf32>,
      %div3A_112 = arith.divf %get3A_111, %gather3A_109 : vector<16xf32>
      %swap3A_113 = arith.index_cast %mul3A_106 : i32 to index
      %swap3A_114 = tpu.vector_load %arg12[%swap3A_113] {strides = array<i32>} : memref<10000xf32, #tpu.memory_space<vmem>>, vector<16xf32>,
      tpu.vector_store %arg12[%swap3A_113], %div3A_112 {strides = array<i32>} : memref<10000xf32, #tpu.memory_space<vmem>>, vector<16xf32>,
      %mul3A_115 = arith.constant 5 : i32
      %mul3A_116 = arith.muli %scan3A_77, %mul3A_115 : i32
      %add3A_117 = arith.constant 3 : i32
      %add3A_118 = arith.addi %mul3A_116, %add3A_117 : i32
      %mul3A_119 = arith.constant 16 : i32
      %mul3A_120 = arith.muli %add3A_118, %mul3A_119 : i32
      %get3A_121 = arith.index_cast %mul3A_120 : i32 to index
      %get3A_122 = tpu.vector_load %arg10[%get3A_121] {strides = array<i32>} : memref<10000xi32, #tpu.memory_space<vmem>>, vector<16xi32>,
      %gather3A_123 = tpu.vector_load_idx %arg15[%get3A_122] : memref<10240xf32, #tpu.memory_space<vmem>>[vector<16xi32>], vector<16xf32>,
      %get3A_124 = arith.index_cast %mul3A_120 : i32 to index
      %get3A_125 = tpu.vector_load %arg12[%get3A_124] {strides = array<i32>} : memref<10000xf32, #tpu.memory_space<vmem>>, vector<16xf32>,
      %div3A_126 = arith.divf %get3A_125, %gather3A_123 : vector<16xf32>
      %swap3A_127 = arith.index_cast %mul3A_120 : i32 to index
      %swap3A_128 = tpu.vector_load %arg12[%swap3A_127] {strides = array<i32>} : memref<10000xf32, #tpu.memory_space<vmem>>, vector<16xf32>,
      tpu.vector_store %arg12[%swap3A_127], %div3A_126 {strides = array<i32>} : memref<10000xf32, #tpu.memory_space<vmem>>, vector<16xf32>,
      %mul3A_129 = arith.constant 5 : i32
      %mul3A_130 = arith.muli %scan3A_77, %mul3A_129 : i32
      %add3A_131 = arith.constant 4 : i32
      %add3A_132 = arith.addi %mul3A_130, %add3A_131 : i32
      %mul3A_133 = arith.constant 16 : i32
      %mul3A_134 = arith.muli %add3A_132, %mul3A_133 : i32
      %get3A_135 = arith.index_cast %mul3A_134 : i32 to index
      %get3A_136 = tpu.vector_load %arg10[%get3A_135] {strides = array<i32>} : memref<10000xi32, #tpu.memory_space<vmem>>, vector<16xi32>,
      %gather3A_137 = tpu.vector_load_idx %arg15[%get3A_136] : memref<10240xf32, #tpu.memory_space<vmem>>[vector<16xi32>], vector<16xf32>,
      %get3A_138 = arith.index_cast %mul3A_134 : i32 to index
      %get3A_139 = tpu.vector_load %arg12[%get3A_138] {strides = array<i32>} : memref<10000xf32, #tpu.memory_space<vmem>>, vector<16xf32>,
      %div3A_140 = arith.divf %get3A_139, %gather3A_137 : vector<16xf32>
      %swap3A_141 = arith.index_cast %mul3A_134 : i32 to index
      %swap3A_142 = tpu.vector_load %arg12[%swap3A_141] {strides = array<i32>} : memref<10000xf32, #tpu.memory_space<vmem>>, vector<16xf32>,
      tpu.vector_store %arg12[%swap3A_141], %div3A_140 {strides = array<i32>} : memref<10000xf32, #tpu.memory_space<vmem>>, vector<16xf32>,
    }
    %scan3A_46 = arith.constant 125 : i32
    %dma_start3A_47 = arith.constant 0 : i32
    %dma_start3A_48 = tpu.memref_slice %arg19[%dma_start3A_47] : memref<10240xf32, #tpu.memory_space<vmem_shared>> -> memref<10240xf32, #tpu.memory_space<vmem_shared>>
    tpu.enqueue_indirect_dma source(%arg12 : memref<10000xf32, #tpu.memory_space<vmem>>) target(%dma_start3A_48 : memref<10240xf32, #tpu.memory_space<vmem_shared>>) offsets(%arg8 : memref<10000xi32, #tpu.memory_space<vmem>>) semaphore(%arg20 : memref<!tpu.dma_semaphore, #tpu.memory_space<semaphore_mem>>) {add = true}
    %scan3A_49 = arith.constant 0 : i32
    %scan3A_50 = arith.constant 0 : i32
    %scan3A_51 = arith.constant 125 : i32
    %scan3A_52 = arith.addi %scan3A_50, %scan3A_51 : i32
    %scan3A_53 = arith.constant 1 : i32
    scf.for %scan3A_77 = %scan3A_50 to %scan3A_52 step %scan3A_53  : i32 {
      %mul3A_78 = arith.constant 5 : i32
      %mul3A_79 = arith.muli %scan3A_77, %mul3A_78 : i32
      %add3A = arith.constant 0 : i32
      %add3A_80 = arith.addi %mul3A_79, %add3A : i32
      %mul3A_81 = arith.constant 16 : i32
      %mul3A_82 = arith.muli %add3A_80, %mul3A_81 : i32
      %get3A = arith.index_cast %mul3A_82 : i32 to index
      %get3A_83 = tpu.vector_load %arg11[%get3A] {strides = array<i32>} : memref<10000xi32, #tpu.memory_space<vmem>>, vector<16xi32>,
      %gather3A = tpu.vector_load_idx %arg15[%get3A_83] : memref<10240xf32, #tpu.memory_space<vmem>>[vector<16xi32>], vector<16xf32>,
      %get3A_84 = arith.index_cast %mul3A_82 : i32 to index
      %get3A_85 = tpu.vector_load %arg13[%get3A_84] {strides = array<i32>} : memref<10000xf32, #tpu.memory_space<vmem>>, vector<16xf32>,
      %div3A = arith.divf %get3A_85, %gather3A : vector<16xf32>
      %swap3A = arith.index_cast %mul3A_82 : i32 to index
      %swap3A_86 = tpu.vector_load %arg13[%swap3A] {strides = array<i32>} : memref<10000xf32, #tpu.memory_space<vmem>>, vector<16xf32>,
      tpu.vector_store %arg13[%swap3A], %div3A {strides = array<i32>} : memref<10000xf32, #tpu.memory_space<vmem>>, vector<16xf32>,
      %mul3A_87 = arith.constant 5 : i32
      %mul3A_88 = arith.muli %scan3A_77, %mul3A_87 : i32
      %add3A_89 = arith.constant 1 : i32
      %add3A_90 = arith.addi %mul3A_88, %add3A_89 : i32
      %mul3A_91 = arith.constant 16 : i32
      %mul3A_92 = arith.muli %add3A_90, %mul3A_91 : i32
      %get3A_93 = arith.index_cast %mul3A_92 : i32 to index
      %get3A_94 = tpu.vector_load %arg11[%get3A_93] {strides = array<i32>} : memref<10000xi32, #tpu.memory_space<vmem>>, vector<16xi32>,
      %gather3A_95 = tpu.vector_load_idx %arg15[%get3A_94] : memref<10240xf32, #tpu.memory_space<vmem>>[vector<16xi32>], vector<16xf32>,
      %get3A_96 = arith.index_cast %mul3A_92 : i32 to index
      %get3A_97 = tpu.vector_load %arg13[%get3A_96] {strides = array<i32>} : memref<10000xf32, #tpu.memory_space<vmem>>, vector<16xf32>,
      %div3A_98 = arith.divf %get3A_97, %gather3A_95 : vector<16xf32>
      %swap3A_99 = arith.index_cast %mul3A_92 : i32 to index
      %swap3A_100 = tpu.vector_load %arg13[%swap3A_99] {strides = array<i32>} : memref<10000xf32, #tpu.memory_space<vmem>>, vector<16xf32>,
      tpu.vector_store %arg13[%swap3A_99], %div3A_98 {strides = array<i32>} : memref<10000xf32, #tpu.memory_space<vmem>>, vector<16xf32>,
      %mul3A_101 = arith.constant 5 : i32
      %mul3A_102 = arith.muli %scan3A_77, %mul3A_101 : i32
      %add3A_103 = arith.constant 2 : i32
      %add3A_104 = arith.addi %mul3A_102, %add3A_103 : i32
      %mul3A_105 = arith.constant 16 : i32
      %mul3A_106 = arith.muli %add3A_104, %mul3A_105 : i32
      %get3A_107 = arith.index_cast %mul3A_106 : i32 to index
      %get3A_108 = tpu.vector_load %arg11[%get3A_107] {strides = array<i32>} : memref<10000xi32, #tpu.memory_space<vmem>>, vector<16xi32>,
      %gather3A_109 = tpu.vector_load_idx %arg15[%get3A_108] : memref<10240xf32, #tpu.memory_space<vmem>>[vector<16xi32>], vector<16xf32>,
      %get3A_110 = arith.index_cast %mul3A_106 : i32 to index
      %get3A_111 = tpu.vector_load %arg13[%get3A_110] {strides = array<i32>} : memref<10000xf32, #tpu.memory_space<vmem>>, vector<16xf32>,
      %div3A_112 = arith.divf %get3A_111, %gather3A_109 : vector<16xf32>
      %swap3A_113 = arith.index_cast %mul3A_106 : i32 to index
      %swap3A_114 = tpu.vector_load %arg13[%swap3A_113] {strides = array<i32>} : memref<10000xf32, #tpu.memory_space<vmem>>, vector<16xf32>,
      tpu.vector_store %arg13[%swap3A_113], %div3A_112 {strides = array<i32>} : memref<10000xf32, #tpu.memory_space<vmem>>, vector<16xf32>,
      %mul3A_115 = arith.constant 5 : i32
      %mul3A_116 = arith.muli %scan3A_77, %mul3A_115 : i32
      %add3A_117 = arith.constant 3 : i32
      %add3A_118 = arith.addi %mul3A_116, %add3A_117 : i32
      %mul3A_119 = arith.constant 16 : i32
      %mul3A_120 = arith.muli %add3A_118, %mul3A_119 : i32
      %get3A_121 = arith.index_cast %mul3A_120 : i32 to index
      %get3A_122 = tpu.vector_load %arg11[%get3A_121] {strides = array<i32>} : memref<10000xi32, #tpu.memory_space<vmem>>, vector<16xi32>,
      %gather3A_123 = tpu.vector_load_idx %arg15[%get3A_122] : memref<10240xf32, #tpu.memory_space<vmem>>[vector<16xi32>], vector<16xf32>,
      %get3A_124 = arith.index_cast %mul3A_120 : i32 to index
      %get3A_125 = tpu.vector_load %arg13[%get3A_124] {strides = array<i32>} : memref<10000xf32, #tpu.memory_space<vmem>>, vector<16xf32>,
      %div3A_126 = arith.divf %get3A_125, %gather3A_123 : vector<16xf32>
      %swap3A_127 = arith.index_cast %mul3A_120 : i32 to index
      %swap3A_128 = tpu.vector_load %arg13[%swap3A_127] {strides = array<i32>} : memref<10000xf32, #tpu.memory_space<vmem>>, vector<16xf32>,
      tpu.vector_store %arg13[%swap3A_127], %div3A_126 {strides = array<i32>} : memref<10000xf32, #tpu.memory_space<vmem>>, vector<16xf32>,
      %mul3A_129 = arith.constant 5 : i32
      %mul3A_130 = arith.muli %scan3A_77, %mul3A_129 : i32
      %add3A_131 = arith.constant 4 : i32
      %add3A_132 = arith.addi %mul3A_130, %add3A_131 : i32
      %mul3A_133 = arith.constant 16 : i32
      %mul3A_134 = arith.muli %add3A_132, %mul3A_133 : i32
      %get3A_135 = arith.index_cast %mul3A_134 : i32 to index
      %get3A_136 = tpu.vector_load %arg11[%get3A_135] {strides = array<i32>} : memref<10000xi32, #tpu.memory_space<vmem>>, vector<16xi32>,
      %gather3A_137 = tpu.vector_load_idx %arg15[%get3A_136] : memref<10240xf32, #tpu.memory_space<vmem>>[vector<16xi32>], vector<16xf32>,
      %get3A_138 = arith.index_cast %mul3A_134 : i32 to index
      %get3A_139 = tpu.vector_load %arg13[%get3A_138] {strides = array<i32>} : memref<10000xf32, #tpu.memory_space<vmem>>, vector<16xf32>,
      %div3A_140 = arith.divf %get3A_139, %gather3A_137 : vector<16xf32>
      %swap3A_141 = arith.index_cast %mul3A_134 : i32 to index
      %swap3A_142 = tpu.vector_load %arg13[%swap3A_141] {strides = array<i32>} : memref<10000xf32, #tpu.memory_space<vmem>>, vector<16xf32>,
      tpu.vector_store %arg13[%swap3A_141], %div3A_140 {strides = array<i32>} : memref<10000xf32, #tpu.memory_space<vmem>>, vector<16xf32>,
    }
    %scan3A_54 = arith.constant 125 : i32
    %dma_start3A_55 = arith.constant 0 : i32
    %dma_start3A_56 = tpu.memref_slice %arg19[%dma_start3A_55] : memref<10240xf32, #tpu.memory_space<vmem_shared>> -> memref<10240xf32, #tpu.memory_space<vmem_shared>>
    tpu.enqueue_indirect_dma source(%arg13 : memref<10000xf32, #tpu.memory_space<vmem>>) target(%dma_start3A_56 : memref<10240xf32, #tpu.memory_space<vmem_shared>>) offsets(%arg9 : memref<10000xi32, #tpu.memory_space<vmem>>) semaphore(%arg20 : memref<!tpu.dma_semaphore, #tpu.memory_space<semaphore_mem>>) {add = true}
    %scan3A_57 = arith.constant 0 : i32
    %scan3A_58 = arith.constant 0 : i32
    %scan3A_59 = arith.constant 40 : i32
    %scan3A_60 = arith.addi %scan3A_58, %scan3A_59 : i32
    %scan3A_61 = arith.constant 1 : i32
    scf.for %scan3A_77 = %scan3A_58 to %scan3A_60 step %scan3A_61  : i32 {
      %mul3A_78 = arith.constant 16 : i32
      %mul3A_79 = arith.muli %scan3A_77, %mul3A_78 : i32
      %mul3A_80 = arith.constant 640 : i32
      %mul3A_81 = arith.muli %arg1, %mul3A_80 : i32
      %mul3A_82 = arith.constant 16 : i32
      %mul3A_83 = arith.muli %scan3A_77, %mul3A_82 : i32
      %add3A = arith.addi %mul3A_81, %mul3A_83 : i32
      %get3A = arith.index_cast %add3A : i32 to index
      %get3A_84 = tpu.vector_load %arg15[%get3A] {strides = array<i32>} : memref<10240xf32, #tpu.memory_space<vmem>>, vector<16xf32>,
      %get3A_85 = arith.index_cast %mul3A_79 : i32 to index
      %get3A_86 = tpu.vector_load %arg16[%get3A_85] {strides = array<i32>} : memref<640xf32, #tpu.memory_space<vmem>>, vector<16xf32>,
      %div3A = arith.divf %get3A_86, %get3A_84 : vector<16xf32>
      %swap3A = arith.index_cast %mul3A_79 : i32 to index
      %swap3A_87 = tpu.vector_load %arg16[%swap3A] {strides = array<i32>} : memref<640xf32, #tpu.memory_space<vmem>>, vector<16xf32>,
      tpu.vector_store %arg16[%swap3A], %div3A {strides = array<i32>} : memref<640xf32, #tpu.memory_space<vmem>>, vector<16xf32>,
    }
    %scan3A_62 = arith.constant 40 : i32
    %dma_start3A_63 = arith.constant 0 : i32
    %dma_start3A_64 = tpu.memref_slice %arg19[%dma_start3A_63] : memref<10240xf32, #tpu.memory_space<vmem_shared>> -> memref<10240xf32, #tpu.memory_space<vmem_shared>>
    tpu.enqueue_indirect_dma source(%arg16 : memref<640xf32, #tpu.memory_space<vmem>>) target(%dma_start3A_64 : memref<10240xf32, #tpu.memory_space<vmem_shared>>) offsets(%arg17 : memref<640xi32, #tpu.memory_space<vmem>>) semaphore(%arg20 : memref<!tpu.dma_semaphore, #tpu.memory_space<semaphore_mem>>) {add = true}
    %dma_wait3A_65 = arith.constant 0 : i32
    %dma_wait3A_66 = tpu.memref_slice %arg19[%dma_wait3A_65] : memref<10240xf32, #tpu.memory_space<vmem_shared>> -> memref<10240xf32, #tpu.memory_space<vmem_shared>>
    tpu.wait_indirect_dma semaphore(%arg20 : memref<!tpu.dma_semaphore, #tpu.memory_space<semaphore_mem>>) src(%arg12 : memref<10000xf32, #tpu.memory_space<vmem>>) dst(%dma_wait3A_66 : memref<10240xf32, #tpu.memory_space<vmem_shared>>)
    %dma_wait3A_67 = arith.constant 0 : i32
    %dma_wait3A_68 = tpu.memref_slice %arg19[%dma_wait3A_67] : memref<10240xf32, #tpu.memory_space<vmem_shared>> -> memref<10240xf32, #tpu.memory_space<vmem_shared>>
    tpu.wait_indirect_dma semaphore(%arg20 : memref<!tpu.dma_semaphore, #tpu.memory_space<semaphore_mem>>) src(%arg13 : memref<10000xf32, #tpu.memory_space<vmem>>) dst(%dma_wait3A_68 : memref<10240xf32, #tpu.memory_space<vmem_shared>>)
    %dma_wait3A_69 = arith.constant 0 : i32
    %dma_wait3A_70 = tpu.memref_slice %arg19[%dma_wait3A_69] : memref<10240xf32, #tpu.memory_space<vmem_shared>> -> memref<10240xf32, #tpu.memory_space<vmem_shared>>
    tpu.wait_indirect_dma semaphore(%arg20 : memref<!tpu.dma_semaphore, #tpu.memory_space<semaphore_mem>>) src(%arg16 : memref<640xf32, #tpu.memory_space<vmem>>) dst(%dma_wait3A_70 : memref<10240xf32, #tpu.memory_space<vmem_shared>>)
    %barrier3A_71 = arith.constant 0 : index
    tpu.barrier barrier_id(%barrier3A_71)
    %eq3A_72 = arith.constant 0 : i32
    %eq3A_73 = arith.cmpi eq, %arg1, %eq3A_72 : i32
    %convert_element_type3A_74 = arith.extui %eq3A_73 : i1 to i32
    %cond3A_75 = arith.constant 0 : i32
    %cond3A_76 = arith.cmpi ne, %convert_element_type3A_74, %cond3A_75 : i32
    scf.if %cond3A_76 {
      %mul3A_77 = arith.constant 10240 : i32
      %mul3A_78 = arith.muli %arg0, %mul3A_77 : i32
      "tpu.region"() ({
        %run_scoped3A = tpu.sem_alloc : memref<!tpu.dma_semaphore, #tpu.memory_space<semaphore_mem>>
        %dma_start3A_79 = tpu.memref_slice %arg7[%mul3A_78] : memref<20480xf32, #tpu.memory_space<hbm>> -> memref<10240xf32, #tpu.memory_space<hbm>>
        tpu.enqueue_dma source(%arg19 : memref<10240xf32, #tpu.memory_space<vmem_shared>>) target(%dma_start3A_79 : memref<10240xf32, #tpu.memory_space<hbm>>) target_semaphore(%run_scoped3A : memref<!tpu.dma_semaphore, #tpu.memory_space<semaphore_mem>>)
        %dma_wait3A_80 = tpu.memref_slice %arg7[%mul3A_78] : memref<20480xf32, #tpu.memory_space<hbm>> -> memref<10240xf32, #tpu.memory_space<hbm>>
        tpu.wait_dma2 semaphore(%run_scoped3A : memref<!tpu.dma_semaphore, #tpu.memory_space<semaphore_mem>>) src(%arg19 : memref<10240xf32, #tpu.memory_space<vmem_shared>>) dst(%dma_wait3A_80 : memref<10240xf32, #tpu.memory_space<hbm>>)
        tpu.yield
      }) : () -> ()
    } else {
    }
    return
  }
}

module attributes {stable_mosaic.version = 14 : i64} {
  func.func @_logits_body(%arg0: memref<10000x128xf32, #tpu.memory_space<vmem>>, %arg1: memref<10000x128xf32, #tpu.memory_space<vmem>>, %arg2: memref<128x128xf32, #tpu.memory_space<vmem>>, %arg3: memref<128x128xf32, #tpu.memory_space<vmem>>, %arg4: memref<2x128xf32, #tpu.memory_space<vmem>>, %arg5: memref<2x128xf32, #tpu.memory_space<vmem>>, %arg6: memref<2x320000xi32, #tpu.memory_space<vmem>>, %arg7: memref<2x320000xi32, #tpu.memory_space<vmem>>, %arg8: memref<40960xf32, #tpu.memory_space<vmem>>, %arg9: memref<320000xi32, #tpu.memory_space<vmem>>, %arg10: memref<320000xi32, #tpu.memory_space<vmem>>, %arg11: memref<320000xi32, #tpu.memory_space<vmem>>, %arg12: memref<320000xi32, #tpu.memory_space<vmem>>) attributes {dimension_semantics = [], scalar_prefetch = 0 : i64, scratch_operands = 0 : i64, tpu.core_type = #tpu.core_type<tc>} {
    %get3A = arith.constant 0 : index
    %get3A_0 = arith.constant 0 : index
    %get3A_1 = vector.load %arg6[%get3A, %get3A_0] : memref<2x320000xi32, #tpu.memory_space<vmem>>, vector<1x320000xi32>
    %get3A_2 = vector.shape_cast %get3A_1 : vector<1x320000xi32> to vector<320000xi32>
    %swap3A = arith.constant 0 : index
    %swap3A_3 = vector.load %arg9[%swap3A] : memref<320000xi32, #tpu.memory_space<vmem>>, vector<320000xi32>
    tpu.vector_store %arg9[%swap3A], %get3A_2 {strides = array<i32>} : memref<320000xi32, #tpu.memory_space<vmem>>, vector<320000xi32>,
    %get3A_4 = arith.constant 1 : index
    %get3A_5 = arith.constant 0 : index
    %get3A_6 = vector.load %arg6[%get3A_4, %get3A_5] : memref<2x320000xi32, #tpu.memory_space<vmem>>, vector<1x320000xi32>
    %get3A_7 = vector.shape_cast %get3A_6 : vector<1x320000xi32> to vector<320000xi32>
    %swap3A_8 = arith.constant 0 : index
    %swap3A_9 = vector.load %arg10[%swap3A_8] : memref<320000xi32, #tpu.memory_space<vmem>>, vector<320000xi32>
    tpu.vector_store %arg10[%swap3A_8], %get3A_7 {strides = array<i32>} : memref<320000xi32, #tpu.memory_space<vmem>>, vector<320000xi32>,
    %get3A_10 = arith.constant 0 : index
    %get3A_11 = arith.constant 0 : index
    %get3A_12 = vector.load %arg7[%get3A_10, %get3A_11] : memref<2x320000xi32, #tpu.memory_space<vmem>>, vector<1x320000xi32>
    %get3A_13 = vector.shape_cast %get3A_12 : vector<1x320000xi32> to vector<320000xi32>
    %swap3A_14 = arith.constant 0 : index
    %swap3A_15 = vector.load %arg11[%swap3A_14] : memref<320000xi32, #tpu.memory_space<vmem>>, vector<320000xi32>
    tpu.vector_store %arg11[%swap3A_14], %get3A_13 {strides = array<i32>} : memref<320000xi32, #tpu.memory_space<vmem>>, vector<320000xi32>,
    %get3A_16 = arith.constant 1 : index
    %get3A_17 = arith.constant 0 : index
    %get3A_18 = vector.load %arg7[%get3A_16, %get3A_17] : memref<2x320000xi32, #tpu.memory_space<vmem>>, vector<1x320000xi32>
    %get3A_19 = vector.shape_cast %get3A_18 : vector<1x320000xi32> to vector<320000xi32>
    %swap3A_20 = arith.constant 0 : index
    %swap3A_21 = vector.load %arg12[%swap3A_20] : memref<320000xi32, #tpu.memory_space<vmem>>, vector<320000xi32>
    tpu.vector_store %arg12[%swap3A_20], %get3A_19 {strides = array<i32>} : memref<320000xi32, #tpu.memory_space<vmem>>, vector<320000xi32>,
    %get3A_22 = arith.constant 0 : index
    %get3A_23 = arith.constant 0 : index
    %get3A_24 = vector.load %arg0[%get3A_22, %get3A_23] : memref<10000x128xf32, #tpu.memory_space<vmem>>, vector<10000x128xf32>
    %get3A_25 = arith.constant 0 : index
    %get3A_26 = arith.constant 0 : index
    %get3A_27 = vector.load %arg2[%get3A_25, %get3A_26] : memref<128x128xf32, #tpu.memory_space<vmem>>, vector<128x128xf32>
    %dot_general3A = arith.constant dense<0.000000e+00> : vector<10000x128xf32>
    %dot_general3A_28 = tpu.matmul %get3A_24, %get3A_27, %dot_general3A {dimension_numbers = #tpu.dot_dimension_numbers<[1], [1], [0], [0], [0, 0, 1, 0], [], []>, transpose_lhs_hint = false} : vector<10000x128xf32>, vector<128x128xf32>, vector<10000x128xf32> -> vector<10000x128xf32>
    %get3A_29 = arith.constant 0 : index
    %get3A_30 = arith.constant 0 : index
    %get3A_31 = vector.load %arg1[%get3A_29, %get3A_30] : memref<10000x128xf32, #tpu.memory_space<vmem>>, vector<10000x128xf32>
    %get3A_32 = arith.constant 0 : index
    %get3A_33 = arith.constant 0 : index
    %get3A_34 = vector.load %arg3[%get3A_32, %get3A_33] : memref<128x128xf32, #tpu.memory_space<vmem>>, vector<128x128xf32>
    %dot_general3A_35 = arith.constant dense<0.000000e+00> : vector<10000x128xf32>
    %dot_general3A_36 = tpu.matmul %get3A_31, %get3A_34, %dot_general3A_35 {dimension_numbers = #tpu.dot_dimension_numbers<[1], [1], [0], [0], [0, 0, 1, 0], [], []>, transpose_lhs_hint = false} : vector<10000x128xf32>, vector<128x128xf32>, vector<10000x128xf32> -> vector<10000x128xf32>
    %get3A_37 = arith.constant 0 : index
    %get3A_38 = arith.constant 0 : index
    %get3A_39 = vector.load %arg4[%get3A_37, %get3A_38] : memref<2x128xf32, #tpu.memory_space<vmem>>, vector<2x128xf32>
    %dot_general3A_40 = arith.constant dense<0.000000e+00> : vector<2x10000xf32>
    %dot_general3A_41 = tpu.matmul %get3A_39, %dot_general3A_28, %dot_general3A_40 {dimension_numbers = #tpu.dot_dimension_numbers<[1], [1], [0], [0], [0, 0, 1, 0], [], []>, precision = #tpu.contract_precision<fp32>, transpose_lhs_hint = false} : vector<2x128xf32>, vector<10000x128xf32>, vector<2x10000xf32> -> vector<2x10000xf32>
    %get3A_42 = arith.constant 0 : index
    %get3A_43 = arith.constant 0 : index
    %get3A_44 = vector.load %arg5[%get3A_42, %get3A_43] : memref<2x128xf32, #tpu.memory_space<vmem>>, vector<2x128xf32>
    %dot_general3A_45 = arith.constant dense<0.000000e+00> : vector<2x10000xf32>
    %dot_general3A_46 = tpu.matmul %get3A_44, %dot_general3A_36, %dot_general3A_45 {dimension_numbers = #tpu.dot_dimension_numbers<[1], [1], [0], [0], [0, 0, 1, 0], [], []>, precision = #tpu.contract_precision<fp32>, transpose_lhs_hint = false} : vector<2x128xf32>, vector<10000x128xf32>, vector<2x10000xf32> -> vector<2x10000xf32>
    %broadcast_in_dim3A = arith.constant 0.000000e+00 : f32
    %broadcast_in_dim3A_47 = vector.broadcast %broadcast_in_dim3A : f32 to vector<240xf32>
    %slice3A = vector.extract_strided_slice %dot_general3A_41 {offsets = [0, 0], sizes = [1, 10000], strides = [1, 1]} : vector<2x10000xf32> to vector<1x10000xf32>
    %squeeze3A = vector.shape_cast %slice3A : vector<1x10000xf32> to vector<10000xf32>
    %slice3A_48 = vector.extract_strided_slice %dot_general3A_41 {offsets = [1, 0], sizes = [1, 10000], strides = [1, 1]} : vector<2x10000xf32> to vector<1x10000xf32>
    %squeeze3A_49 = vector.shape_cast %slice3A_48 : vector<1x10000xf32> to vector<10000xf32>
    %slice3A_50 = vector.extract_strided_slice %dot_general3A_46 {offsets = [0, 0], sizes = [1, 10000], strides = [1, 1]} : vector<2x10000xf32> to vector<1x10000xf32>
    %squeeze3A_51 = vector.shape_cast %slice3A_50 : vector<1x10000xf32> to vector<10000xf32>
    %slice3A_52 = vector.extract_strided_slice %dot_general3A_46 {offsets = [1, 0], sizes = [1, 10000], strides = [1, 1]} : vector<2x10000xf32> to vector<1x10000xf32>
    %squeeze3A_53 = vector.shape_cast %slice3A_52 : vector<1x10000xf32> to vector<10000xf32>
    %swap3A_54 = arith.constant 0 : index
    %swap3A_55 = vector.load %arg8[%swap3A_54] : memref<40960xf32, #tpu.memory_space<vmem>>, vector<10000xf32>
    tpu.vector_store %arg8[%swap3A_54], %squeeze3A {strides = array<i32>} : memref<40960xf32, #tpu.memory_space<vmem>>, vector<10000xf32>,
    %swap3A_56 = arith.constant 10000 : index
    %swap3A_57 = vector.load %arg8[%swap3A_56] : memref<40960xf32, #tpu.memory_space<vmem>>, vector<240xf32>
    tpu.vector_store %arg8[%swap3A_56], %broadcast_in_dim3A_47 {strides = array<i32>} : memref<40960xf32, #tpu.memory_space<vmem>>, vector<240xf32>,
    %swap3A_58 = arith.constant 10240 : index
    %swap3A_59 = vector.load %arg8[%swap3A_58] : memref<40960xf32, #tpu.memory_space<vmem>>, vector<10000xf32>
    tpu.vector_store %arg8[%swap3A_58], %squeeze3A_49 {strides = array<i32>} : memref<40960xf32, #tpu.memory_space<vmem>>, vector<10000xf32>,
    %swap3A_60 = arith.constant 20240 : index
    %swap3A_61 = vector.load %arg8[%swap3A_60] : memref<40960xf32, #tpu.memory_space<vmem>>, vector<240xf32>
    tpu.vector_store %arg8[%swap3A_60], %broadcast_in_dim3A_47 {strides = array<i32>} : memref<40960xf32, #tpu.memory_space<vmem>>, vector<240xf32>,
    %swap3A_62 = arith.constant 20480 : index
    %swap3A_63 = vector.load %arg8[%swap3A_62] : memref<40960xf32, #tpu.memory_space<vmem>>, vector<10000xf32>
    tpu.vector_store %arg8[%swap3A_62], %squeeze3A_51 {strides = array<i32>} : memref<40960xf32, #tpu.memory_space<vmem>>, vector<10000xf32>,
    %swap3A_64 = arith.constant 30480 : index
    %swap3A_65 = vector.load %arg8[%swap3A_64] : memref<40960xf32, #tpu.memory_space<vmem>>, vector<240xf32>
    tpu.vector_store %arg8[%swap3A_64], %broadcast_in_dim3A_47 {strides = array<i32>} : memref<40960xf32, #tpu.memory_space<vmem>>, vector<240xf32>,
    %swap3A_66 = arith.constant 30720 : index
    %swap3A_67 = vector.load %arg8[%swap3A_66] : memref<40960xf32, #tpu.memory_space<vmem>>, vector<10000xf32>
    tpu.vector_store %arg8[%swap3A_66], %squeeze3A_53 {strides = array<i32>} : memref<40960xf32, #tpu.memory_space<vmem>>, vector<10000xf32>,
    %swap3A_68 = arith.constant 40720 : index
    %swap3A_69 = vector.load %arg8[%swap3A_68] : memref<40960xf32, #tpu.memory_space<vmem>>, vector<240xf32>
    tpu.vector_store %arg8[%swap3A_68], %broadcast_in_dim3A_47 {strides = array<i32>} : memref<40960xf32, #tpu.memory_space<vmem>>, vector<240xf32>,
    return
  }
}

module attributes {stable_mosaic.version = 14 : i64} {
  func.func @_head_body(%arg0: memref<20480xf32, #tpu.memory_space<vmem>>, %arg1: memref<10000x128xf32, #tpu.memory_space<vmem>>, %arg2: memref<10000x128xf32, #tpu.memory_space<vmem>>, %arg3: memref<128x128xf32, #tpu.memory_space<vmem>>, %arg4: memref<128x128xf32, #tpu.memory_space<vmem>>, %arg5: memref<128xf32, #tpu.memory_space<vmem>>, %arg6: memref<128xf32, #tpu.memory_space<vmem>>, %arg7: memref<16384x256xf32, #tpu.memory_space<vmem>>, %arg8: memref<16384xf32, #tpu.memory_space<vmem>>, %arg9: memref<128x16384xf32, #tpu.memory_space<vmem>>, %arg10: memref<128xf32, #tpu.memory_space<vmem>>, %arg11: memref<1x128xf32, #tpu.memory_space<vmem>>, %arg12: memref<1x1xf32, #tpu.memory_space<vmem>>) attributes {dimension_semantics = [], scalar_prefetch = 0 : i64, scratch_operands = 0 : i64, tpu.core_type = #tpu.core_type<tc>} {
    %get3A = arith.constant 0 : index
    %get3A_0 = arith.constant 0 : index
    %get3A_1 = vector.load %arg1[%get3A, %get3A_0] : memref<10000x128xf32, #tpu.memory_space<vmem>>, vector<10000x128xf32>
    %get3A_2 = arith.constant 0 : index
    %get3A_3 = arith.constant 0 : index
    %get3A_4 = vector.load %arg3[%get3A_2, %get3A_3] : memref<128x128xf32, #tpu.memory_space<vmem>>, vector<128x128xf32>
    %dot_general3A = arith.constant dense<0.000000e+00> : vector<10000x128xf32>
    %dot_general3A_5 = tpu.matmul %get3A_1, %get3A_4, %dot_general3A {dimension_numbers = #tpu.dot_dimension_numbers<[1], [1], [0], [0], [0, 0, 1, 0], [], []>, transpose_lhs_hint = false} : vector<10000x128xf32>, vector<128x128xf32>, vector<10000x128xf32> -> vector<10000x128xf32>
    %get3A_6 = arith.constant 0 : index
    %get3A_7 = arith.constant 0 : index
    %get3A_8 = vector.load %arg2[%get3A_6, %get3A_7] : memref<10000x128xf32, #tpu.memory_space<vmem>>, vector<10000x128xf32>
    %get3A_9 = arith.constant 0 : index
    %get3A_10 = arith.constant 0 : index
    %get3A_11 = vector.load %arg4[%get3A_9, %get3A_10] : memref<128x128xf32, #tpu.memory_space<vmem>>, vector<128x128xf32>
    %dot_general3A_12 = arith.constant dense<0.000000e+00> : vector<10000x128xf32>
    %dot_general3A_13 = tpu.matmul %get3A_8, %get3A_11, %dot_general3A_12 {dimension_numbers = #tpu.dot_dimension_numbers<[1], [1], [0], [0], [0, 0, 1, 0], [], []>, transpose_lhs_hint = false} : vector<10000x128xf32>, vector<128x128xf32>, vector<10000x128xf32> -> vector<10000x128xf32>
    %get3A_14 = arith.constant 0 : index
    %get3A_15 = vector.load %arg0[%get3A_14] : memref<20480xf32, #tpu.memory_space<vmem>>, vector<10000xf32>
    %reshape3A = vector.shape_cast %get3A_15 : vector<10000xf32> to vector<1x10000xf32>
    %get3A_16 = arith.constant 10240 : index
    %get3A_17 = vector.load %arg0[%get3A_16] : memref<20480xf32, #tpu.memory_space<vmem>>, vector<10000xf32>
    %reshape3A_18 = vector.shape_cast %get3A_17 : vector<10000xf32> to vector<1x10000xf32>
    %dot_general3A_19 = arith.constant dense<0.000000e+00> : vector<1x128xf32>
    %dot_general3A_20 = tpu.matmul %reshape3A, %dot_general3A_5, %dot_general3A_19 {dimension_numbers = #tpu.dot_dimension_numbers<[1], [0], [0], [1], [0, 0, 1, 1], [], []>, precision = #tpu.contract_precision<fp32>, transpose_lhs_hint = false} : vector<1x10000xf32>, vector<10000x128xf32>, vector<1x128xf32> -> vector<1x128xf32>
    %get3A_21 = arith.constant 0 : index
    %get3A_22 = vector.load %arg5[%get3A_21] : memref<128xf32, #tpu.memory_space<vmem>>, vector<128xf32>
    %broadcast_in_dim3A = vector.shape_cast %get3A_22 : vector<128xf32> to vector<1x128xf32>
    %mul3A = arith.constant 1.000000e+04 : f32
    %mul3A_23 = vector.broadcast %mul3A : f32 to vector<1x128xf32>
    %mul3A_24 = arith.mulf %mul3A_23, %broadcast_in_dim3A : vector<1x128xf32>
    %add3A = arith.addf %dot_general3A_20, %mul3A_24 : vector<1x128xf32>
    %dot_general3A_25 = arith.constant dense<0.000000e+00> : vector<1x128xf32>
    %dot_general3A_26 = tpu.matmul %reshape3A_18, %dot_general3A_13, %dot_general3A_25 {dimension_numbers = #tpu.dot_dimension_numbers<[1], [0], [0], [1], [0, 0, 1, 1], [], []>, precision = #tpu.contract_precision<fp32>, transpose_lhs_hint = false} : vector<1x10000xf32>, vector<10000x128xf32>, vector<1x128xf32> -> vector<1x128xf32>
    %get3A_27 = arith.constant 0 : index
    %get3A_28 = vector.load %arg6[%get3A_27] : memref<128xf32, #tpu.memory_space<vmem>>, vector<128xf32>
    %broadcast_in_dim3A_29 = vector.shape_cast %get3A_28 : vector<128xf32> to vector<1x128xf32>
    %mul3A_30 = arith.constant 1.000000e+04 : f32
    %mul3A_31 = vector.broadcast %mul3A_30 : f32 to vector<1x128xf32>
    %mul3A_32 = arith.mulf %mul3A_31, %broadcast_in_dim3A_29 : vector<1x128xf32>
    %add3A_33 = arith.addf %dot_general3A_26, %mul3A_32 : vector<1x128xf32>
    %concatenate3A = tpu.concatenate %add3A, %add3A_33 in 1 : vector<1x128xf32>, vector<1x128xf32> -> vector<1x256xf32>
    %get3A_34 = arith.constant 0 : index
    %get3A_35 = arith.constant 0 : index
    %get3A_36 = vector.load %arg7[%get3A_34, %get3A_35] : memref<16384x256xf32, #tpu.memory_space<vmem>>, vector<16384x256xf32>
    %dot_general3A_37 = arith.constant dense<0.000000e+00> : vector<1x16384xf32>
    %dot_general3A_38 = tpu.matmul %concatenate3A, %get3A_36, %dot_general3A_37 {dimension_numbers = #tpu.dot_dimension_numbers<[1], [1], [0], [0], [0, 0, 1, 0], [], []>, transpose_lhs_hint = false} : vector<1x256xf32>, vector<16384x256xf32>, vector<1x16384xf32> -> vector<1x16384xf32>
    %get3A_39 = arith.constant 0 : index
    %get3A_40 = vector.load %arg8[%get3A_39] : memref<16384xf32, #tpu.memory_space<vmem>>, vector<16384xf32>
    %broadcast_in_dim3A_41 = vector.shape_cast %get3A_40 : vector<16384xf32> to vector<1x16384xf32>
    %add3A_42 = arith.addf %dot_general3A_38, %broadcast_in_dim3A_41 : vector<1x16384xf32>
    %get3A_43 = arith.constant 0 : index
    %get3A_44 = arith.constant 0 : index
    %get3A_45 = vector.load %arg9[%get3A_43, %get3A_44] : memref<128x16384xf32, #tpu.memory_space<vmem>>, vector<128x16384xf32>
    %dot_general3A_46 = arith.constant dense<0.000000e+00> : vector<1x128xf32>
    %dot_general3A_47 = tpu.matmul %add3A_42, %get3A_45, %dot_general3A_46 {dimension_numbers = #tpu.dot_dimension_numbers<[1], [1], [0], [0], [0, 0, 1, 0], [], []>, transpose_lhs_hint = false} : vector<1x16384xf32>, vector<128x16384xf32>, vector<1x128xf32> -> vector<1x128xf32>
    %get3A_48 = arith.constant 0 : index
    %get3A_49 = vector.load %arg10[%get3A_48] : memref<128xf32, #tpu.memory_space<vmem>>, vector<128xf32>
    %broadcast_in_dim3A_50 = vector.shape_cast %get3A_49 : vector<128xf32> to vector<1x128xf32>
    %add3A_51 = arith.addf %dot_general3A_47, %broadcast_in_dim3A_50 : vector<1x128xf32>
    %get3A_52 = arith.constant 0 : index
    %get3A_53 = arith.constant 0 : index
    %get3A_54 = vector.load %arg11[%get3A_52, %get3A_53] : memref<1x128xf32, #tpu.memory_space<vmem>>, vector<1x128xf32>
    %dot_general3A_55 = arith.constant dense<0.000000e+00> : vector<1x1xf32>
    %dot_general3A_56 = tpu.matmul %add3A_51, %get3A_54, %dot_general3A_55 {dimension_numbers = #tpu.dot_dimension_numbers<[1], [1], [0], [0], [0, 0, 1, 0], [], []>, transpose_lhs_hint = false} : vector<1x128xf32>, vector<1x128xf32>, vector<1x1xf32> -> vector<1x1xf32>
    %swap3A = arith.constant 0 : index
    %swap3A_57 = arith.constant 0 : index
    %swap3A_58 = vector.load %arg12[%swap3A, %swap3A_57] : memref<1x1xf32, #tpu.memory_space<vmem>>, vector<1x1xf32>
    tpu.vector_store %arg12[%swap3A, %swap3A_57], %dot_general3A_56 {strides = array<i32>} : memref<1x1xf32, #tpu.memory_space<vmem>>, vector<1x1xf32>,
    return
  }
}

</mosaic_0001>

<sc_bundles>
// kernel: kernel.5.cloned.1.call-start
scs
__scs_entry_jumppad:
0x0: {  	(pc) =	sbr.rel $0x88, $3  }
0x1: {  	(tag) =	ssettag $0x0;
	lr =	simm.s32 $0x1  }
0x2: {  	[smem:$0x3F8F] =	sst lr;
	_ =	strace $0xD0000000  }
0x3: {  	_ = 	snop  }
0x4: {  	_ = 	snop  }
0x5: {  	_ = 	snop  }
0x6: {  	_ = 	snop  }
0x7: {  	_ = 	snop  }
__scs_overlays_trampoline_lowered:
0x8: {  	[smem:$0x3F9E] =	sst s0  }
0x9: {  	[smem:$0x3F9F] =	sst s1  }
0xa: {  	[smem:$0x3FA0] =	sst s2  }
0xb: {  	[smem:$0x3FA1] =	sst s3  }
0xc: {  	[smem:$0x3FA2] =	sst s4  }
0xd: {  	[smem:$0x3FA3] =	sst s5  }
0xe: {  	[smem:$0x3FA4] =	sst s6  }
0xf: {  	[smem:$0x3FA5] =	sst s7  }
0x10: {  	[smem:$0x3FA6] =	sst s8  }
0x11: {  	[smem:$0x3FA7] =	sst s9;
	s0 =	simm.s32 @!p0 $0x0  }
0x12: {  	s1 =	sld [smem:$0x3F8D];
	s0 =	simm.s32 @p0 $0x1  }
0x13: {  	[smem:$0x3FA8] =	sst s0;
	s0 =	simm.s32 @!p1 $0x0  }
0x14: {  	s2 =	sld [smem:$0x3F8C];
	s0 =	simm.s32 @p1 $0x1  }
0x15: {  	[smem:$0x3FA9] =	sst s0;
	s0 =	simm.s32 @!p2 $0x0  }
0x16: {  	s3 =	sld [smem:$0x3FDB];
	s0 =	simm.s32 @p2 $0x1  }
0x17: {  	s4 =	simm.s32 $0x1BF5;
	[smem:$0x3FAB] =	sst s0  }
0x18: {  	s0 =	sld [smem:$0x3F8E];
	_ =	swait.ge [sflag:s4], $0x0  }
0x19: {  	s7 =	sld [smem:$0x3F8F]  }
0x1a: {  	s8 =	sadd.s32 $0xFFFFE003, lr  }
0x1b: {  	s9 =	sadd.s32 $0xFFFFFEF7, lr;
	s5 =	simm.s32 $0xFFFFFFFF;
	p2 =	slt.u32 s8, $0xFFFFF086  }
0x1c: {  	p1 =	slt.u32 s9, $0xF7A;
	s5 =	simm.s32 @!p2 $0x0  }
0x1d: {  	s5 =	simm.s32 @p1 $0x1;
	p0 =	seq.s32 s7, s2  }
0x1e: {  	s7 =	smul.u32 @!p0 $0xF7A, s2;
	p2 =	seq.s32 @!p0 s5, $0x0  }
0x1f: {  	s9 =	smul.u32 $0xF7A, s1;
	s8 =	simm.s32 @!p0 $0x1BF5;
	p2 =	por !p2, p0  }
0x20: {  	[sflag:s8] =	ssyncset.s32 @!p0 $0xFFFFF086;
	s6 =	sadd.s32 @!p0 s3, s7;
	s7 =	simm.s32 @!p0 $0x108  }
0x21: {  	s3 =	sadd.s32 s3, s9;
	s6 =	sadd.s32 @!p0 $0x88, s6;
	s7 =	simm.s32 @p2 $0x1082  }
0x22: {  	[simem:s7], [sflag:s8] =	dma.local @!p0 [hbm:s6], $0xF7A  }
0x23: {  	s9 =	sor.u32 $0xD0000000, s2;
	s6 =	simm.s32 $0x108;
	_ =	swait.ge @!p0 [sflag:s8], $0x0  }
0x24: {  	s3 =	sadd.s32 $0x88, s3;
	s6 =	simm.s32 @!p1 $0x1082;
	[sflag:s4] =	ssyncset.s32 $0xFFFFF086  }
0x25: {  	[simem:s6], [sflag:s4] =	dma.local [hbm:s3], $0xF7A  }
0x26: {  	[smem:$0x3F8F] =	sst s1;
	(tag) =	ssettag s2;
	_ =	strace s9  }
0x27: {  	s1 =	sld [smem:$0x3F9F]  }
0x28: {  	s2 =	sld [smem:$0x3FA0]  }
0x29: {  	s4 =	sld [smem:$0x3FA2]  }
0x2a: {  	p0 =	seq.s32 s5, $0x0;
	s5 =	sld [smem:$0x3FA3]  }
0x2b: {  	s6 =	sld [smem:$0x3FA4]  }
0x2c: {  	s7 =	sld [smem:$0x3FA5]  }
0x2d: {  	s3 =	simm.s32 $0x108;
	s8 =	sld [smem:$0x3FA6]  }
0x2e: {  	s3 =	simm.s32 @!p0 $0x1082;
	s9 =	sld [smem:$0x3FA7]  }
0x2f: {  	lr =	sadd.s32 s0, s3;
	s0 =	sld [smem:$0x3F9E]  }
0x30: {  	s3 =	sld [smem:$0x3FA1]  }
0x31: {  	[smem:$0x3FAA] =	sst s10  }
0x32: {  	s10 =	sld [smem:$0x3FA8];
	_ =	sdelay $0x3  }
0x33: {  	p0 =	seq.s32 s10, $0x1;
	s10 =	sld [smem:$0x3FAA];
	_ =	sdelay $0x3  }
0x34: {  	[smem:$0x3FAA] =	sst s10  }
0x35: {  	s10 =	sld [smem:$0x3FA9];
	_ =	sdelay $0x3  }
0x36: {  	p1 =	seq.s32 s10, $0x1;
	s10 =	sld [smem:$0x3FAA];
	_ =	sdelay $0x3  }
0x37: {  	[smem:$0x3FAA] =	sst s10  }
0x38: {  	s10 =	sld [smem:$0x3FAB]  }
0x39: {  	_ = 	snop;
	(pc) =	sbr.ind lr, $3  }
0x3a: {  	_ = 	snop  }
0x3b: {  	_ = 	snop  }
0x3c: {  	p2 =	seq.s32 s10, $0x1;
	s10 =	sld [smem:$0x3FAA]  }
0x3d: {  	_ =	shalt  }
0x3e: {  	_ =	shalt  }
0x3f: {  	_ =	shalt  }
0x40: {  	_ =	shalt  }
0x41: {  	_ =	shalt  }
0x42: {  	_ =	shalt  }
0x43: {  	_ =	shalt  }
0x44: {  	_ =	shalt  }
0x45: {  	_ =	shalt  }
0x46: {  	_ =	shalt  }
0x47: {  	_ =	shalt  }
0x48: {  	_ =	shalt  }
0x49: {  	_ =	shalt  }
0x4a: {  	_ =	shalt  }
0x4b: {  	_ =	shalt  }
0x4c: {  	_ =	shalt  }
0x4d: {  	_ =	shalt  }
0x4e: {  	_ =	shalt  }
0x4f: {  	_ =	shalt  }
0x50: {  	_ =	shalt  }
0x51: {  	_ =	shalt  }
0x52: {  	_ =	shalt  }
0x53: {  	_ =	shalt  }
0x54: {  	_ =	shalt  }
0x55: {  	_ =	shalt  }
0x56: {  	_ =	shalt  }
0x57: {  	_ =	shalt  }
0x58: {  	_ =	shalt  }
0x59: {  	_ =	shalt  }
0x5a: {  	_ =	shalt  }
0x5b: {  	_ =	shalt  }
0x5c: {  	_ =	shalt  }
0x5d: {  	_ =	shalt  }
0x5e: {  	_ =	shalt  }
0x5f: {  	_ =	shalt  }
0x60: {  	_ =	shalt  }
0x61: {  	_ =	shalt  }
0x62: {  	_ =	shalt  }
0x63: {  	_ =	shalt  }
0x64: {  	_ =	shalt  }
0x65: {  	_ =	shalt  }
0x66: {  	_ =	shalt  }
0x67: {  	_ =	shalt  }
0x68: {  	_ =	shalt  }
0x69: {  	_ =	shalt  }
0x6a: {  	_ =	shalt  }
0x6b: {  	_ =	shalt  }
0x6c: {  	_ =	shalt  }
0x6d: {  	_ =	shalt  }
0x6e: {  	_ =	shalt  }
0x6f: {  	_ =	shalt  }
0x70: {  	_ =	shalt  }
0x71: {  	_ =	shalt  }
0x72: {  	_ =	shalt  }
0x73: {  	_ =	shalt  }
0x74: {  	_ =	shalt  }
0x75: {  	_ =	shalt  }
0x76: {  	_ =	shalt  }
0x77: {  	_ =	shalt  }
0x78: {  	_ =	shalt  }
0x79: {  	_ =	shalt  }
0x7a: {  	_ =	shalt  }
0x7b: {  	_ =	shalt  }
0x7c: {  	_ =	shalt  }
0x7d: {  	_ =	shalt  }
0x7e: {  	_ =	shalt  }
0x7f: {  	_ =	shalt  }
0x80: {  	_ =	shalt  }
0x81: {  	_ =	shalt  }
0x82: {  	_ =	shalt  }
0x83: {  	_ =	shalt  }
0x84: {  	_ =	shalt  }
0x85: {  	_ =	shalt  }
0x86: {  	_ =	shalt  }
0x87: {  	_ =	shalt  }
.Lfunc_end0:
.L_simem_size_0:
called_computation_lowered:
.L_overlay_start_0:
0x88: {  	s2 =	sld [smem:$0x3FD9]  }
0x89: {  	s3 =	sld [smem:$0x3FFE];
	_ =	sdelay $0x1  }
0x8a: {  	s1 =	srdreg.scid  }
0x8b: {  	s0 =	sand.u32 $0x1, s1  }
0x8c: {  	s16 =	sshll.u32 s0, $0xA;
	s2 =	sadd.s32 s3, s2  }
0x8d: {  	s2 =	sadd.s32 s2, s16  }
0x8e: {  	[smem:$0x3FB6] =	sst s2  }
0x8f: {  	_ = 	snop  }
0x90: {  	(tm) =	ssettm $0x1  }
0x91: {  	s17 =	sld [smem:$0x3FFB];
	_ =	sdelay $0x3  }
0x92: {  	_ =	strace s17  }
0x93: {  	s2 =	sld [smem:$0x3FFC];
	_ =	sdelay $0x3  }
0x94: {  	_ =	strace s2  }
0x95: {  	s2 =	sld [smem:$0x3FFD];
	_ =	sdelay $0x3  }
0x96: {  	_ =	strace s2  }
0x97: {  	_ =	strace $0x8FFFFFFF  }
0x98: {  	s18 =	sld [smem:$0x3FDB];
	_ =	sdelay $0x1  }
0x99: {  	s19 =	simm.s32 $_scs_section_size  }
0x9a: {  	s4 =	simm.s32 $_size__tile_overlayer_lowered;
	s5 =	simm.s32 $_tile_overlayer_lowered  }
0x9b: {  	s22 =	simm.s32 $0x1BFF;
	s21 =	sshll.u32 s5, $0x1;
	s2 =	sadd.s32 s19, s18  }
0x9c: {  	s6 =	simm.s32 $0x0;
	s20 =	sshll.u32 s4, $0x1;
	s4 =	sadd.s32 s21, s2  }
0x9d: {  	[timem:s6], [sflag:s22] =	dma.local [hbm:s4], s20  }
0x9e: {  	_ =	swait.ge [sflag:s22], s20  }
0x9f: {  	s3 =	ssub.s32 $0x0, s20;
	[sflag:s22] =	ssyncset.done $0x0  }
0xa0: {  	[sflag:s22] =	ssyncadd.s32 s3;
	_ =	sdelay $0x1  }
0xa1: {  	s23 =	simm.s32 $0x1B8B  }
0xa2: {  	_ =	swait.ge [sflag:s23], $0x1  }
0xa3: {  	[sflag:s23] =	ssyncset.done $0x0  }
0xa4: {  	s25 =	simm.s32 $0x1B8E;
	s24 =	sld [smem:$0x3FFE];
	[sflag:s23] =	ssyncadd.s32 $0xFFFFFFFF  }
0xa5: {  	s26 =	simm.s32 $execute0_lowered;
	[smem:$0x3FD2] =	sst s25  }
0xa6: {  	s4 =	sshll.u32 s26, $0x1;
	_ =	strace $0x80000046;
	[dreg:$0x1] =	wrdreg $0xFFFFFFFF  }
0xa7: {  	s28 =	simm.s32 $_size_execute0_lowered;
	s2 =	sadd.s32 s2, s4;
	[dreg:$0x0] =	wrdreg $0x0  }
0xa8: {  	s4 =	sshll.u32 s28, $0x1;
	[dreg:$0x2] =	wrdreg s2  }
0xa9: {  	[dreg:$0x3] =	wrdreg s4  }
0xaa: {  	[dreg:$0x4] =	wrdreg $0xC0  }
0xab: {  	_ =	task [dreg:s6], $0x5FFFF  }
0xac: {  	[dreg:$0x1] =	wrdreg $0xFFFFFFFF  }
0xad: {  	[dreg:$0x0] =	wrdreg $0x60  }
0xae: {  	[dreg:$0x2] =	wrdreg s24  }
0xaf: {  	[dreg:$0x3] =	wrdreg $0x16A000  }
0xb0: {  	[dreg:$0x4] =	wrdreg $0x16C800  }
0xb1: {  	[dreg:$0x5] =	wrdreg $0x9  }
0xb2: {  	_ =	task.clear_ibuf [dreg:s6], $0x6FFFF;
	_ =	strace $0x90000046  }
0xb3: {  	s29 =	simm.s32 $0x9;
	_ =	strace $0x80000048  }
0xb4: {  	_ =	swait.ge [sflag:s29], $0x1  }
0xb5: {  	[sflag:s29] =	ssyncadd.s32 $0xFFFFFFFF  }
0xb6: {  	_ =	strace $0x90000048  }
0xb7: {  	_ =	sfence  }
0xb8: {  	s30 =	sld [smem:$0x0];
	_ =	sdelay $0x2  }
0xb9: {  	s31 =	sshll.u32 s1, $0xD;
	s1 =	sshrl.u32 s1, $0x2  }
0xba: {  	s3 =	sand.u32 $0x4000, s31;
	s1 =	sadd.s32 s1, s30  }
0xbb: {  	s0 =	sor.u32 s3, s0;
	s1 =	sshll.u32 s1, $0x11  }
0xbc: {  	s0 =	sor.u32 s1, s0  }
0xbd: {  	s0 =	sadd.s32 $0x8F2B, s0  }
0xbe: {  	[sflag:s0] =	ssyncadd.remote.s32 $0x1  }
0xbf: {  	_ =	sfence.sel $0xFFFF  }
0xc0: {  	[dreg:$0x0] =	wrdreg $0xFFFFFFFF;
	(pc) =	sbr.abs _section_cstart, $3  }
0xc1: {  	[dreg:$0x1] =	wrdreg $0xFFFFFFFF  }
0xc2: {  	_ =	task.clear_ibuf [dreg:s6], $0x2FFFF;
	_ =	strace $0x9FFFFFFF  }
0xc3: {  	(tm) =	ssettm $0x7FFFFFFF  }
tec
execute0_lowered:
.L_overlay_start_1:
0x0: {  	(tag) =	ssettag $0x1  }
0x1: {  	s0 =	rddreg [dreg:$0x0]  }
0x2: {  	s1 =	rddreg [dreg:$0x1]  }
0x3: {  	s2 =	rddreg [dreg:$0x2];
	s3 =	simm.s32 $0x0;
	s4 =	srdreg.scid  }
0x4: {  	s16 =	stileid.u32;
	s17 =	simm.s32 $0x2;
	s19 =	simm.s32 $0x1  }
0x5: {  	s20 =	simm.s32 $0x2710;
	s22 =	simm.s32 $0x9E00;
	s23 =	simm.s32 $0x7680  }
0x6: {  	s24 =	simm.s32 $0xC580;
	s25 =	simm.s32 $0x280;
	s26 =	simm.s32 $0x16780  }
0x7: {  	s28 =	simm.s32 $0x16500;
	s29 =	simm.s32 $0x2780;
	[smem:$0x7FF] =	sst s3  }
0x8: {  	s6 =	sadd.s32 $0x3C00, s0;
	s8 =	sand.u32 $0x1, s4;
	s9 =	sadd.s32 $0xDA00, s0  }
0x9: {  	s10 =	sadd.s32 $0x17800, s0;
	s11 =	smul.u32 $0x4E20, s16;
	s12 =	sadd.s32 $0x21600, s0  }
0xa: {  	s4 =	sadd.s32 $0x2B400, s0;
	p1 =	sne.s32 s16, $0x0;
	_ =	strace $0x80000047  }
0xb: {  	s5 =	smul.u32 $0x500, s8;
	s7 =	ssub.s32 $0x2, s8;
	p0 =	seq.s32 s8, $0x1  }
0xc: {  	s14 =	smul.u32 $0xA00, s8;
	s13 =	sshrl.u32 s7, $0x1;
	s11 =	sshrl.u32 s11, $0x3  }
0xd: {  	s0 =	sadd.s32 s5, s0;
	s15 =	ssub.s32 s7, s13;
	s5 =	sadd.s32 s6, s11  }
0xe: {  	s31 =	sadd.s32 $0x4E2, s11;
	s7 =	sadd.s32 s9, s11;
	s18 =	sadd.s32 s4, s14  }
0xf: {  	s13 =	smul.u32 $0x280, s16;
	s16 =	simm.s32 $0x13D00;
	s6 =	sadd.s32 s6, s31  }
0x10: {  	s8 =	sadd.s32 s9, s31;
	s9 =	sadd.s32 s10, s11;
	s10 =	sadd.s32 s10, s31  }
0x11: {  	v0 =	vlaneseq.u32;
	s11 =	sadd.s32 s12, s11;
	s12 =	sadd.s32 s12, s31;
	s14 =	sadd.s32 $0x2C800, s0  }
0x12: {  	v1 =	vimm.f32 $0.0e+00;
	v2 =	vor.u32 $0x2800, v0;
	s15 =	smax.u32 s15, $0x1;
	s4 =	smov.u32 @p0 s18;
	s18 =	simm.s32 $0xED00  }
.LBB2_1:
.Ltmp0:
0x13: {  	(pc) =	sbr.rel @p1 .LBB2_5-.Ltmp0, $1  }
0x14: {  	_ =	sdelay $0x3  }
0x15: {  	s0 =	simm.s32 $0x40;
	s21 =	simm.s32 $0x0  }
.LBB2_3:
0x16: {  	p2 =	sne.s32 s0, $0x9FC0;
	[tilespmem:s21+$0x13D00] =	vst v1;
	s21 =	smov.u32 s0;
	s0 =	sadd.s32 $0x40, s0  }
.Ltmp1:
0x17: {  	(pc) =	sbr.rel @p2 .LBB2_3-.Ltmp1, $2  }
0x18: {  	_ =	sdelay $0x2  }
0x19: {  	s21 =	sshra.s32 s21, $0x2  }
0x1a: {  	[tilespmem:s21+$0x13D00] =	vst v1  }
0x1b: {  	[spmem:s1] =	stream.linear.scatter [tilespmem:s16], [sflag:$0x2], $0x2800, $0x38;
	[tilespmem:$0x16F00] =	vst v63  }
0x1c: {  	_ =	swait.ge [sflag:s17], $0x2800  }
0x1d: {  	[sflag:s17] =	ssyncset.done $0x0  }
0x1e: {  	[sflag:s17] =	ssyncadd.s32 $0xFFFFD800  }
0x1f: {  	[spmem:s2] =	stream.linear.scatter [tilespmem:s16], [sflag:$0x2], $0x2800, $0x38;
	[tilespmem:$0x16F00] =	vst v63  }
0x20: {  	_ =	swait.ge [sflag:s17], $0x2800  }
0x21: {  	[sflag:s17] =	ssyncset.done $0x0  }
0x22: {  	[sflag:s17] =	ssyncadd.s32 $0xFFFFD800  }
.LBB2_5:
0x23: {  	s0 =	simm.s32 @p0 $0x0  }
0x24: {  	[tilespmem:s0], [sflag:$0x1] =	stream.linear.gather @p0 [hbm4b:s9+s0], $0x2710, $0x38;
	[tilespmem:$0x16F00] =	vst v63  }
0x25: {  	s21 =	simm.s32 @p0 $0x2780  }
0x26: {  	[tilespmem:s21], [sflag:$0x1] =	stream.linear.gather @p0 [hbm4b:s10+s0], $0x2710, $0x38;
	[tilespmem:$0x16F00] =	vst v63  }
0x27: {  	s21 =	simm.s32 @p0 $0x4F00  }
0x28: {  	[tilespmem:s21], [sflag:$0x1] =	stream.linear.gather @p0 [hbm4b:s11+s0], $0x2710, $0x38;
	[tilespmem:$0x16F00] =	vst v63  }
0x29: {  	s21 =	simm.s32 @p0 $0x7680  }
0x2a: {  	[tilespmem:s21], [sflag:$0x1] =	stream.linear.gather @p0 [hbm4b:s12+s0], $0x2710, $0x38;
	[tilespmem:$0x16F00] =	vst v63  }
0x2b: {  	s0 =	simm.s32 @!p0 $0x0  }
0x2c: {  	[tilespmem:s0], [sflag:$0x1] =	stream.linear.gather @!p0 [hbm4b:s5+s0], $0x2710, $0x38;
	[tilespmem:$0x16F00] =	vst v63  }
0x2d: {  	s21 =	simm.s32 @!p0 $0x2780  }
0x2e: {  	[tilespmem:s21], [sflag:$0x1] =	stream.linear.gather @!p0 [hbm4b:s6+s0], $0x2710, $0x38;
	[tilespmem:$0x16F00] =	vst v63  }
0x2f: {  	s21 =	simm.s32 @!p0 $0x4F00  }
0x30: {  	[tilespmem:s21], [sflag:$0x1] =	stream.linear.gather @!p0 [hbm4b:s7+s0], $0x2710, $0x38;
	[tilespmem:$0x16F00] =	vst v63  }
0x31: {  	s21 =	simm.s32 @!p0 $0x7680  }
0x32: {  	[tilespmem:s21], [sflag:$0x1] =	stream.linear.gather @!p0 [hbm4b:s8+s0], $0x2710, $0x38;
	[tilespmem:$0x16F00] =	vst v63  }
0x33: {  	s21 =	simm.s32 $0x0  }
0x34: {  	[tilespmem:s18], [sflag:$0x1] =	stream.linear.gather [hbm4b:s4+s21], $0x5000, $0x38;
	[tilespmem:$0x16F00] =	vst v63  }
0x35: {  	_ =	swait.ge [sflag:s19], $0x2710  }
0x36: {  	[sflag:s19] =	ssyncset.done $0x0  }
0x37: {  	[sflag:s19] =	ssyncadd.s32 $0xFFFFD8F0  }
0x38: {  	_ =	swait.ge [sflag:s19], $0x2710  }
0x39: {  	[sflag:s19] =	ssyncset.done $0x0  }
0x3a: {  	[sflag:s19] =	ssyncadd.s32 $0xFFFFD8F0  }
0x3b: {  	_ =	swait.ge [sflag:s19], $0x2710  }
0x3c: {  	[sflag:s19] =	ssyncset.done $0x0  }
0x3d: {  	[sflag:s19] =	ssyncadd.s32 $0xFFFFD8F0  }
0x3e: {  	_ =	swait.ge [sflag:s19], $0x2710  }
0x3f: {  	[sflag:s19] =	ssyncset.done $0x0  }
0x40: {  	[sflag:s19] =	ssyncadd.s32 $0xFFFFD8F0  }
0x41: {  	_ =	swait.ge [sflag:s19], $0x5000  }
0x42: {  	[sflag:s19] =	ssyncset.done $0x0  }
0x43: {  	[sflag:s19] =	ssyncadd.s32 $0xFFFFB000  }
0x44: {  	s30 =	simm.s32 $0x0;
	[bflag:$0x0] =	sbarrier.arrive $0xFFFF  }
0x45: {  	v3 =	vld [tilespmem:s30+$0x4F00]  }
0x46: {  	v4 =	vld [tilespmem:s30+$0x0];
	_ =	sdelay $0x3  }
0x47: {  	v3 =	vadd.s32 $0x2800, v3;
	_ =	sdelay $0x3  }
0x48: {  	v4 =	vld.idx.msk [tilespmem:v4+s18+$0x0], $0xffff  }
0x49: {  	v3 =	vld.idx.msk [tilespmem:v3+s18+$0x0], $0xffff;
	_ =	sdelay $0x4  }
0x4a: {  	v3 =	vadd.f32 v3, v4;
	_ =	sdelay $0x1  }
0x4b: {  	v4 =	vmul.f32 $2.000000030e-01, v3;
	_ =	sdelay $0x1  }
0x4c: {  	v3 =	vmax.f32 v3, v4  }
0x4d: {  	v3 =	vmul.f32 $1.442695020e+00, v3;
	_ =	sdelay $0x1  }
0x4e: {  	(erf) = vpow2.f32 v3;
	_ =	sdelay $0x1  }
0x4f: {  	v3 =	vld [tilespmem:s30+$0x4F10]  }
0x50: {  	v4 =	vld [tilespmem:s30+$0x10];
	_ =	sdelay $0x3  }
0x51: {  	v3 =	vadd.s32 $0x2800, v3;
	_ =	sdelay $0x1  }
0x52: {  	v8 =	vpop (erf)  }
0x53: {  	[tilespmem:s30+$0x9E00] =	vst v8  }
0x54: {  	v4 =	vld.idx.msk [tilespmem:v4+s18+$0x0], $0xffff  }
0x55: {  	v3 =	vld.idx.msk [tilespmem:v3+s18+$0x0], $0xffff;
	_ =	sdelay $0x4  }
0x56: {  	v3 =	vadd.f32 v3, v4;
	_ =	sdelay $0x1  }
0x57: {  	v4 =	vmul.f32 $2.000000030e-01, v3;
	_ =	sdelay $0x1  }
0x58: {  	v3 =	vmax.f32 v3, v4  }
0x59: {  	v3 =	vmul.f32 $1.442695020e+00, v3;
	_ =	sdelay $0x1  }
0x5a: {  	(erf) = vpow2.f32 v3;
	_ =	sdelay $0x1  }
0x5b: {  	v5 =	vld [tilespmem:s30+$0x4F20]  }
0x5c: {  	v3 =	vld [tilespmem:s30+$0x20];
	_ =	sdelay $0x3  }
0x5d: {  	v4 =	vadd.s32 $0x2800, v5;
	_ =	sdelay $0x1  }
0x5e: {  	v5 =	vpop (erf)  }
0x5f: {  	[tilespmem:s30+$0x9E10] =	vst v5  }
0x60: {  	v3 =	vld.idx.msk [tilespmem:v3+s18+$0x0], $0xffff  }
0x61: {  	v4 =	vld.idx.msk [tilespmem:v4+s18+$0x0], $0xffff;
	_ =	sdelay $0x4  }
0x62: {  	v3 =	vadd.f32 v4, v3;
	_ =	sdelay $0x1  }
0x63: {  	v4 =	vmul.f32 $2.000000030e-01, v3;
	_ =	sdelay $0x1  }
0x64: {  	v3 =	vmax.f32 v3, v4  }
0x65: {  	v3 =	vmul.f32 $1.442695020e+00, v3;
	_ =	sdelay $0x1  }
0x66: {  	(erf) = vpow2.f32 v3;
	_ =	sdelay $0x1  }
0x67: {  	v6 =	vld [tilespmem:s30+$0x4F30]  }
0x68: {  	v3 =	vld [tilespmem:s30+$0x30];
	_ =	sdelay $0x3  }
0x69: {  	v4 =	vadd.s32 $0x2800, v6;
	_ =	sdelay $0x1  }
0x6a: {  	v5 =	vpop (erf)  }
0x6b: {  	[tilespmem:s30+$0x9E20] =	vst v5  }
0x6c: {  	v3 =	vld.idx.msk [tilespmem:v3+s18+$0x0], $0xffff  }
0x6d: {  	v4 =	vld.idx.msk [tilespmem:v4+s18+$0x0], $0xffff;
	_ =	sdelay $0x4  }
0x6e: {  	v3 =	vadd.f32 v4, v3;
	_ =	sdelay $0x1  }
0x6f: {  	v4 =	vmul.f32 $2.000000030e-01, v3;
	_ =	sdelay $0x1  }
0x70: {  	v3 =	vmax.f32 v3, v4  }
0x71: {  	v3 =	vmul.f32 $1.442695020e+00, v3;
	_ =	sdelay $0x1  }
0x72: {  	(erf) = vpow2.f32 v3;
	_ =	sdelay $0x1  }
0x73: {  	v7 =	vld [tilespmem:s30+$0x4F40]  }
0x74: {  	v3 =	vld [tilespmem:s30+$0x40];
	_ =	sdelay $0x3  }
0x75: {  	v4 =	vadd.s32 $0x2800, v7;
	_ =	sdelay $0x1  }
0x76: {  	v5 =	vpop (erf)  }
0x77: {  	[tilespmem:s30+$0x9E30] =	vst v5  }
0x78: {  	v3 =	vld.idx.msk [tilespmem:v3+s18+$0x0], $0xffff  }
0x79: {  	v4 =	vld.idx.msk [tilespmem:v4+s18+$0x0], $0xffff;
	_ =	sdelay $0x4  }
0x7a: {  	v3 =	vadd.f32 v4, v3;
	_ =	sdelay $0x1  }
0x7b: {  	v4 =	vmul.f32 $2.000000030e-01, v3;
	_ =	sdelay $0x1  }
0x7c: {  	v4 =	vmax.f32 v3, v4  }
0x7d: {  	v4 =	vmul.f32 $1.442695020e+00, v4;
	_ =	sdelay $0x1  }
0x7e: {  	(erf) = vpow2.f32 v4  }
0x7f: {  	s21 =	simm.s32 $0x50  }
0x80: {  	v3 =	vld [tilespmem:s21+$0x4F00]  }
0x81: {  	v6 =	vld [tilespmem:s21+$0x0]  }
0x82: {  	v5 =	vld [tilespmem:s21+$0x4F10]  }
0x83: {  	s31 =	simm.s32 $0x280;
	v4 =	vld [tilespmem:s21+$0x4F20]  }
.LBB2_6:
0x84: {  	p2 =	sne.s32 s31, $0x9B00;
	v7 =	vld [tilespmem:s21+$0x4F30];
	s0 =	smov.u32 s31;
	s31 =	sadd.s32 $0x140, s31  }
0x85: {  	v8 =	vadd.s32 $0x2800, v3;
	v3 =	vld [tilespmem:s21+$0x4F40];
	_ =	sdelay $0x1  }
0x86: {  	v9 =	vpop (erf)  }
0x87: {  	[tilespmem:s30+$0x9E40] =	vst v9;
	s30 =	smov.u32 s21  }
0x88: {  	v6 =	vld.idx.msk [tilespmem:v6+s18+$0x0], $0xffff  }
0x89: {  	v8 =	vld.idx.msk [tilespmem:v8+s18+$0x0], $0xffff;
	_ =	sdelay $0x5  }
0x8a: {  	v6 =	vadd.f32 v8, v6;
	_ =	sdelay $0x1  }
0x8b: {  	v8 =	vmul.f32 $2.000000030e-01, v6;
	_ =	sdelay $0x1  }
0x8c: {  	v6 =	vmax.f32 v6, v8  }
0x8d: {  	v6 =	vmul.f32 $1.442695020e+00, v6;
	_ =	sdelay $0x1  }
0x8e: {  	(erf) = vpow2.f32 v6;
	_ =	sdelay $0x2  }
0x8f: {  	v6 =	vld [tilespmem:s30+$0x10];
	_ =	sdelay $0x2  }
0x90: {  	v5 =	vadd.s32 $0x2800, v5;
	_ =	sdelay $0x2  }
0x91: {  	v8 =	vpop (erf)  }
0x92: {  	[tilespmem:s30+$0x9E00] =	vst v8  }
0x93: {  	v6 =	vld.idx.msk [tilespmem:v6+s18+$0x0], $0xffff  }
0x94: {  	v5 =	vld.idx.msk [tilespmem:v5+s18+$0x0], $0xffff;
	_ =	sdelay $0x5  }
0x95: {  	v5 =	vadd.f32 v5, v6;
	_ =	sdelay $0x1  }
0x96: {  	v6 =	vmul.f32 $2.000000030e-01, v5;
	_ =	sdelay $0x1  }
0x97: {  	v5 =	vmax.f32 v5, v6  }
0x98: {  	v5 =	vmul.f32 $1.442695020e+00, v5;
	_ =	sdelay $0x1  }
0x99: {  	(erf) = vpow2.f32 v5;
	_ =	sdelay $0x2  }
0x9a: {  	v5 =	vld [tilespmem:s30+$0x20];
	_ =	sdelay $0x2  }
0x9b: {  	v4 =	vadd.s32 $0x2800, v4;
	_ =	sdelay $0x2  }
0x9c: {  	v6 =	vpop (erf)  }
0x9d: {  	[tilespmem:s30+$0x9E10] =	vst v6  }
0x9e: {  	v5 =	vld.idx.msk [tilespmem:v5+s18+$0x0], $0xffff  }
0x9f: {  	v4 =	vld.idx.msk [tilespmem:v4+s18+$0x0], $0xffff;
	_ =	sdelay $0x5  }
0xa0: {  	v4 =	vadd.f32 v4, v5;
	_ =	sdelay $0x1  }
0xa1: {  	v5 =	vmul.f32 $2.000000030e-01, v4;
	_ =	sdelay $0x1  }
0xa2: {  	v4 =	vmax.f32 v4, v5  }
0xa3: {  	v4 =	vmul.f32 $1.442695020e+00, v4;
	_ =	sdelay $0x1  }
0xa4: {  	(erf) = vpow2.f32 v4;
	_ =	sdelay $0x2  }
0xa5: {  	v4 =	vld [tilespmem:s30+$0x30];
	_ =	sdelay $0x2  }
0xa6: {  	v5 =	vadd.s32 $0x2800, v7;
	_ =	sdelay $0x2  }
0xa7: {  	v6 =	vpop (erf)  }
0xa8: {  	[tilespmem:s30+$0x9E20] =	vst v6  }
0xa9: {  	v4 =	vld.idx.msk [tilespmem:v4+s18+$0x0], $0xffff  }
0xaa: {  	v5 =	vld.idx.msk [tilespmem:v5+s18+$0x0], $0xffff;
	_ =	sdelay $0x5  }
0xab: {  	v4 =	vadd.f32 v5, v4;
	_ =	sdelay $0x1  }
0xac: {  	v5 =	vmul.f32 $2.000000030e-01, v4;
	_ =	sdelay $0x1  }
0xad: {  	v4 =	vmax.f32 v4, v5  }
0xae: {  	v4 =	vmul.f32 $1.442695020e+00, v4;
	_ =	sdelay $0x1  }
0xaf: {  	(erf) = vpow2.f32 v4;
	_ =	sdelay $0x2  }
0xb0: {  	v4 =	vld [tilespmem:s30+$0x40];
	_ =	sdelay $0x2  }
0xb1: {  	v3 =	vadd.s32 $0x2800, v3;
	_ =	sdelay $0x2  }
0xb2: {  	v5 =	vpop (erf)  }
0xb3: {  	[tilespmem:s30+$0x9E30] =	vst v5  }
0xb4: {  	v4 =	vld.idx.msk [tilespmem:v4+s18+$0x0], $0xffff  }
0xb5: {  	v3 =	vld.idx.msk [tilespmem:v3+s18+$0x0], $0xffff;
	_ =	sdelay $0x5  }
0xb6: {  	v3 =	vadd.f32 v3, v4;
	_ =	sdelay $0x1  }
0xb7: {  	v4 =	vmul.f32 $2.000000030e-01, v3;
	_ =	sdelay $0x1  }
0xb8: {  	v3 =	vmax.f32 v3, v4  }
0xb9: {  	v3 =	vmul.f32 $1.442695020e+00, v3;
	_ =	sdelay $0x1  }
0xba: {  	(erf) = vpow2.f32 v3  }
.Ltmp2:
0xbb: {  	s21 =	sshra.s32 s0, $0x2;
	(pc) =	sbr.rel @p2 .LBB2_6-.Ltmp2, $4  }
0xbc: {  	v3 =	vld [tilespmem:s21+$0x4F00]  }
0xbd: {  	v6 =	vld [tilespmem:s21+$0x0]  }
0xbe: {  	v5 =	vld [tilespmem:s21+$0x4F10]  }
0xbf: {  	v4 =	vld [tilespmem:s21+$0x4F20]  }
0xc0: {  	_ =	sdelay $0x1  }
0xc1: {  	v3 =	vadd.s32 $0x2800, v3;
	_ =	sdelay $0x1  }
0xc2: {  	v7 =	vld [tilespmem:s21+$0x4F30];
	v9 =	vpop (erf)  }
0xc3: {  	v8 =	vld [tilespmem:s21+$0x4F40];
	[tilespmem:s30+$0x9E40] =	vst v9  }
0xc4: {  	v6 =	vld.idx.msk [tilespmem:v6+s18+$0x0], $0xffff  }
0xc5: {  	v3 =	vld.idx.msk [tilespmem:v3+s18+$0x0], $0xffff;
	_ =	sdelay $0x4  }
0xc6: {  	v3 =	vadd.f32 v3, v6;
	_ =	sdelay $0x1  }
0xc7: {  	v6 =	vmul.f32 $2.000000030e-01, v3;
	_ =	sdelay $0x1  }
0xc8: {  	v3 =	vmax.f32 v3, v6  }
0xc9: {  	v3 =	vmul.f32 $1.442695020e+00, v3;
	_ =	sdelay $0x1  }
0xca: {  	(erf) = vpow2.f32 v3;
	_ =	sdelay $0x2  }
0xcb: {  	v3 =	vld [tilespmem:s21+$0x10];
	_ =	sdelay $0x3  }
0xcc: {  	v5 =	vadd.s32 $0x2800, v5;
	_ =	sdelay $0x1  }
0xcd: {  	v6 =	vpop (erf)  }
0xce: {  	[tilespmem:s21+$0x9E00] =	vst v6  }
0xcf: {  	v3 =	vld.idx.msk [tilespmem:v3+s18+$0x0], $0xffff  }
0xd0: {  	v5 =	vld.idx.msk [tilespmem:v5+s18+$0x0], $0xffff;
	_ =	sdelay $0x4  }
0xd1: {  	v3 =	vadd.f32 v5, v3;
	_ =	sdelay $0x1  }
0xd2: {  	v5 =	vmul.f32 $2.000000030e-01, v3;
	_ =	sdelay $0x1  }
0xd3: {  	v3 =	vmax.f32 v3, v5  }
0xd4: {  	v3 =	vmul.f32 $1.442695020e+00, v3;
	_ =	sdelay $0x1  }
0xd5: {  	(erf) = vpow2.f32 v3;
	_ =	sdelay $0x2  }
0xd6: {  	v3 =	vld [tilespmem:s21+$0x20];
	_ =	sdelay $0x3  }
0xd7: {  	v4 =	vadd.s32 $0x2800, v4;
	_ =	sdelay $0x1  }
0xd8: {  	v5 =	vpop (erf)  }
0xd9: {  	[tilespmem:s21+$0x9E10] =	vst v5  }
0xda: {  	v3 =	vld.idx.msk [tilespmem:v3+s18+$0x0], $0xffff  }
0xdb: {  	v4 =	vld.idx.msk [tilespmem:v4+s18+$0x0], $0xffff;
	_ =	sdelay $0x4  }
0xdc: {  	v3 =	vadd.f32 v4, v3;
	_ =	sdelay $0x1  }
0xdd: {  	v4 =	vmul.f32 $2.000000030e-01, v3;
	_ =	sdelay $0x1  }
0xde: {  	v3 =	vmax.f32 v3, v4  }
0xdf: {  	v3 =	vmul.f32 $1.442695020e+00, v3;
	_ =	sdelay $0x1  }
0xe0: {  	(erf) = vpow2.f32 v3;
	_ =	sdelay $0x2  }
0xe1: {  	v3 =	vld [tilespmem:s21+$0x30];
	_ =	sdelay $0x3  }
0xe2: {  	v4 =	vadd.s32 $0x2800, v7;
	_ =	sdelay $0x1  }
0xe3: {  	v5 =	vpop (erf)  }
0xe4: {  	[tilespmem:s21+$0x9E20] =	vst v5  }
0xe5: {  	v3 =	vld.idx.msk [tilespmem:v3+s18+$0x0], $0xffff  }
0xe6: {  	v4 =	vld.idx.msk [tilespmem:v4+s18+$0x0], $0xffff;
	_ =	sdelay $0x4  }
0xe7: {  	v3 =	vadd.f32 v4, v3;
	_ =	sdelay $0x1  }
0xe8: {  	v4 =	vmul.f32 $2.000000030e-01, v3;
	_ =	sdelay $0x1  }
0xe9: {  	v3 =	vmax.f32 v3, v4  }
0xea: {  	v3 =	vmul.f32 $1.442695020e+00, v3;
	_ =	sdelay $0x1  }
0xeb: {  	(erf) = vpow2.f32 v3;
	_ =	sdelay $0x2  }
0xec: {  	v3 =	vld [tilespmem:s21+$0x40];
	_ =	sdelay $0x3  }
0xed: {  	v4 =	vadd.s32 $0x2800, v8;
	_ =	sdelay $0x1  }
0xee: {  	v5 =	vpop (erf)  }
0xef: {  	[tilespmem:s21+$0x9E30] =	vst v5  }
0xf0: {  	v3 =	vld.idx.msk [tilespmem:v3+s18+$0x0], $0xffff  }
0xf1: {  	v4 =	vld.idx.msk [tilespmem:v4+s18+$0x0], $0xffff;
	_ =	sdelay $0x4  }
0xf2: {  	v3 =	vadd.f32 v4, v3;
	_ =	sdelay $0x1  }
0xf3: {  	v4 =	vmul.f32 $2.000000030e-01, v3;
	_ =	sdelay $0x1  }
0xf4: {  	v3 =	vmax.f32 v3, v4  }
0xf5: {  	v3 =	vmul.f32 $1.442695020e+00, v3;
	_ =	sdelay $0x1  }
0xf6: {  	(erf) = vpow2.f32 v3;
	_ =	sdelay $0x8  }
0xf7: {  	v3 =	vpop (erf)  }
0xf8: {  	s0 =	simm.s32 $0x4F00;
	s30 =	simm.s32 $0x0;
	[tilespmem:s21+$0x9E40] =	vst v3  }
0xf9: {  	[spmem:s1] =	stream.indirect.scatter.add.f32 [tilespmem:s22], [sflag:$0x1], $0x1, s0, s20, $0xb8;
	[tilespmem:$0x16F00] =	vst v63  }
0xfa: {  	v3 =	vld [tilespmem:s30+$0x7680]  }
0xfb: {  	v4 =	vld [tilespmem:s30+$0x2780];
	_ =	sdelay $0x3  }
0xfc: {  	v3 =	vadd.s32 $0x2800, v3;
	_ =	sdelay $0x3  }
0xfd: {  	v4 =	vld.idx.msk [tilespmem:v4+s18+$0x0], $0xffff  }
0xfe: {  	v3 =	vld.idx.msk [tilespmem:v3+s18+$0x0], $0xffff;
	_ =	sdelay $0x4  }
0xff: {  	v3 =	vadd.f32 v3, v4;
	_ =	sdelay $0x1  }
0x100: {  	v4 =	vmul.f32 $2.000000030e-01, v3;
	_ =	sdelay $0x1  }
0x101: {  	v3 =	vmax.f32 v3, v4  }
0x102: {  	v3 =	vmul.f32 $1.442695020e+00, v3;
	_ =	sdelay $0x1  }
0x103: {  	(erf) = vpow2.f32 v3;
	_ =	sdelay $0x1  }
0x104: {  	v3 =	vld [tilespmem:s30+$0x7690]  }
0x105: {  	v4 =	vld [tilespmem:s30+$0x2790];
	_ =	sdelay $0x3  }
0x106: {  	v3 =	vadd.s32 $0x2800, v3;
	_ =	sdelay $0x1  }
0x107: {  	v8 =	vpop (erf)  }
0x108: {  	[tilespmem:s30+$0xC580] =	vst v8  }
0x109: {  	v4 =	vld.idx.msk [tilespmem:v4+s18+$0x0], $0xffff  }
0x10a: {  	v3 =	vld.idx.msk [tilespmem:v3+s18+$0x0], $0xffff;
	_ =	sdelay $0x4  }
0x10b: {  	v3 =	vadd.f32 v3, v4;
	_ =	sdelay $0x1  }
0x10c: {  	v4 =	vmul.f32 $2.000000030e-01, v3;
	_ =	sdelay $0x1  }
0x10d: {  	v3 =	vmax.f32 v3, v4  }
0x10e: {  	v3 =	vmul.f32 $1.442695020e+00, v3;
	_ =	sdelay $0x1  }
0x10f: {  	(erf) = vpow2.f32 v3;
	_ =	sdelay $0x1  }
0x110: {  	v5 =	vld [tilespmem:s30+$0x76A0]  }
0x111: {  	v3 =	vld [tilespmem:s30+$0x27A0];
	_ =	sdelay $0x3  }
0x112: {  	v4 =	vadd.s32 $0x2800, v5;
	_ =	sdelay $0x1  }
0x113: {  	v5 =	vpop (erf)  }
0x114: {  	[tilespmem:s30+$0xC590] =	vst v5  }
0x115: {  	v3 =	vld.idx.msk [tilespmem:v3+s18+$0x0], $0xffff  }
0x116: {  	v4 =	vld.idx.msk [tilespmem:v4+s18+$0x0], $0xffff;
	_ =	sdelay $0x4  }
0x117: {  	v3 =	vadd.f32 v4, v3;
	_ =	sdelay $0x1  }
0x118: {  	v4 =	vmul.f32 $2.000000030e-01, v3;
	_ =	sdelay $0x1  }
0x119: {  	v3 =	vmax.f32 v3, v4  }
0x11a: {  	v3 =	vmul.f32 $1.442695020e+00, v3;
	_ =	sdelay $0x1  }
0x11b: {  	(erf) = vpow2.f32 v3;
	_ =	sdelay $0x1  }
0x11c: {  	v6 =	vld [tilespmem:s30+$0x76B0]  }
0x11d: {  	v3 =	vld [tilespmem:s30+$0x27B0];
	_ =	sdelay $0x3  }
0x11e: {  	v4 =	vadd.s32 $0x2800, v6;
	_ =	sdelay $0x1  }
0x11f: {  	v5 =	vpop (erf)  }
0x120: {  	[tilespmem:s30+$0xC5A0] =	vst v5  }
0x121: {  	v3 =	vld.idx.msk [tilespmem:v3+s18+$0x0], $0xffff  }
0x122: {  	v4 =	vld.idx.msk [tilespmem:v4+s18+$0x0], $0xffff;
	_ =	sdelay $0x4  }
0x123: {  	v3 =	vadd.f32 v4, v3;
	_ =	sdelay $0x1  }
0x124: {  	v4 =	vmul.f32 $2.000000030e-01, v3;
	_ =	sdelay $0x1  }
0x125: {  	v3 =	vmax.f32 v3, v4  }
0x126: {  	v3 =	vmul.f32 $1.442695020e+00, v3;
	_ =	sdelay $0x1  }
0x127: {  	(erf) = vpow2.f32 v3;
	_ =	sdelay $0x1  }
0x128: {  	v7 =	vld [tilespmem:s30+$0x76C0]  }
0x129: {  	v3 =	vld [tilespmem:s30+$0x27C0];
	_ =	sdelay $0x3  }
0x12a: {  	v4 =	vadd.s32 $0x2800, v7;
	_ =	sdelay $0x1  }
0x12b: {  	v5 =	vpop (erf)  }
0x12c: {  	[tilespmem:s30+$0xC5B0] =	vst v5  }
0x12d: {  	v3 =	vld.idx.msk [tilespmem:v3+s18+$0x0], $0xffff  }
0x12e: {  	v4 =	vld.idx.msk [tilespmem:v4+s18+$0x0], $0xffff;
	_ =	sdelay $0x4  }
0x12f: {  	v3 =	vadd.f32 v4, v3;
	_ =	sdelay $0x1  }
0x130: {  	v4 =	vmul.f32 $2.000000030e-01, v3;
	_ =	sdelay $0x1  }
0x131: {  	v4 =	vmax.f32 v3, v4  }
0x132: {  	v4 =	vmul.f32 $1.442695020e+00, v4;
	_ =	sdelay $0x1  }
0x133: {  	(erf) = vpow2.f32 v4  }
0x134: {  	s21 =	simm.s32 $0x50  }
0x135: {  	v3 =	vld [tilespmem:s21+$0x7680]  }
0x136: {  	v6 =	vld [tilespmem:s21+$0x2780]  }
0x137: {  	v5 =	vld [tilespmem:s21+$0x7690]  }
0x138: {  	s31 =	simm.s32 $0x280;
	v4 =	vld [tilespmem:s21+$0x76A0]  }
.LBB2_8:
0x139: {  	p2 =	sne.s32 s31, $0x9B00;
	v7 =	vld [tilespmem:s21+$0x76B0];
	s0 =	smov.u32 s31;
	s31 =	sadd.s32 $0x140, s31  }
0x13a: {  	v8 =	vadd.s32 $0x2800, v3;
	v3 =	vld [tilespmem:s21+$0x76C0];
	_ =	sdelay $0x1  }
0x13b: {  	v9 =	vpop (erf)  }
0x13c: {  	[tilespmem:s30+$0xC5C0] =	vst v9;
	s30 =	smov.u32 s21  }
0x13d: {  	v6 =	vld.idx.msk [tilespmem:v6+s18+$0x0], $0xffff  }
0x13e: {  	v8 =	vld.idx.msk [tilespmem:v8+s18+$0x0], $0xffff;
	_ =	sdelay $0x5  }
0x13f: {  	v6 =	vadd.f32 v8, v6;
	_ =	sdelay $0x1  }
0x140: {  	v8 =	vmul.f32 $2.000000030e-01, v6;
	_ =	sdelay $0x1  }
0x141: {  	v6 =	vmax.f32 v6, v8  }
0x142: {  	v6 =	vmul.f32 $1.442695020e+00, v6;
	_ =	sdelay $0x1  }
0x143: {  	(erf) = vpow2.f32 v6;
	_ =	sdelay $0x2  }
0x144: {  	v6 =	vld [tilespmem:s30+$0x2790];
	_ =	sdelay $0x2  }
0x145: {  	v5 =	vadd.s32 $0x2800, v5;
	_ =	sdelay $0x2  }
0x146: {  	v8 =	vpop (erf)  }
0x147: {  	[tilespmem:s30+$0xC580] =	vst v8  }
0x148: {  	v6 =	vld.idx.msk [tilespmem:v6+s18+$0x0], $0xffff  }
0x149: {  	v5 =	vld.idx.msk [tilespmem:v5+s18+$0x0], $0xffff;
	_ =	sdelay $0x5  }
0x14a: {  	v5 =	vadd.f32 v5, v6;
	_ =	sdelay $0x1  }
0x14b: {  	v6 =	vmul.f32 $2.000000030e-01, v5;
	_ =	sdelay $0x1  }
0x14c: {  	v5 =	vmax.f32 v5, v6  }
0x14d: {  	v5 =	vmul.f32 $1.442695020e+00, v5;
	_ =	sdelay $0x1  }
0x14e: {  	(erf) = vpow2.f32 v5;
	_ =	sdelay $0x2  }
0x14f: {  	v5 =	vld [tilespmem:s30+$0x27A0];
	_ =	sdelay $0x2  }
0x150: {  	v4 =	vadd.s32 $0x2800, v4;
	_ =	sdelay $0x2  }
0x151: {  	v6 =	vpop (erf)  }
0x152: {  	[tilespmem:s30+$0xC590] =	vst v6  }
0x153: {  	v5 =	vld.idx.msk [tilespmem:v5+s18+$0x0], $0xffff  }
0x154: {  	v4 =	vld.idx.msk [tilespmem:v4+s18+$0x0], $0xffff;
	_ =	sdelay $0x5  }
0x155: {  	v4 =	vadd.f32 v4, v5;
	_ =	sdelay $0x1  }
0x156: {  	v5 =	vmul.f32 $2.000000030e-01, v4;
	_ =	sdelay $0x1  }
0x157: {  	v4 =	vmax.f32 v4, v5  }
0x158: {  	v4 =	vmul.f32 $1.442695020e+00, v4;
	_ =	sdelay $0x1  }
0x159: {  	(erf) = vpow2.f32 v4;
	_ =	sdelay $0x2  }
0x15a: {  	v4 =	vld [tilespmem:s30+$0x27B0];
	_ =	sdelay $0x2  }
0x15b: {  	v5 =	vadd.s32 $0x2800, v7;
	_ =	sdelay $0x2  }
0x15c: {  	v6 =	vpop (erf)  }
0x15d: {  	[tilespmem:s30+$0xC5A0] =	vst v6  }
0x15e: {  	v4 =	vld.idx.msk [tilespmem:v4+s18+$0x0], $0xffff  }
0x15f: {  	v5 =	vld.idx.msk [tilespmem:v5+s18+$0x0], $0xffff;
	_ =	sdelay $0x5  }
0x160: {  	v4 =	vadd.f32 v5, v4;
	_ =	sdelay $0x1  }
0x161: {  	v5 =	vmul.f32 $2.000000030e-01, v4;
	_ =	sdelay $0x1  }
0x162: {  	v4 =	vmax.f32 v4, v5  }
0x163: {  	v4 =	vmul.f32 $1.442695020e+00, v4;
	_ =	sdelay $0x1  }
0x164: {  	(erf) = vpow2.f32 v4;
	_ =	sdelay $0x2  }
0x165: {  	v4 =	vld [tilespmem:s30+$0x27C0];
	_ =	sdelay $0x2  }
0x166: {  	v3 =	vadd.s32 $0x2800, v3;
	_ =	sdelay $0x2  }
0x167: {  	v5 =	vpop (erf)  }
0x168: {  	[tilespmem:s30+$0xC5B0] =	vst v5  }
0x169: {  	v4 =	vld.idx.msk [tilespmem:v4+s18+$0x0], $0xffff  }
0x16a: {  	v3 =	vld.idx.msk [tilespmem:v3+s18+$0x0], $0xffff;
	_ =	sdelay $0x5  }
0x16b: {  	v3 =	vadd.f32 v3, v4;
	_ =	sdelay $0x1  }
0x16c: {  	v4 =	vmul.f32 $2.000000030e-01, v3;
	_ =	sdelay $0x1  }
0x16d: {  	v3 =	vmax.f32 v3, v4  }
0x16e: {  	v3 =	vmul.f32 $1.442695020e+00, v3;
	_ =	sdelay $0x1  }
0x16f: {  	(erf) = vpow2.f32 v3  }
.Ltmp3:
0x170: {  	s21 =	sshra.s32 s0, $0x2;
	(pc) =	sbr.rel @p2 .LBB2_8-.Ltmp3, $4  }
0x171: {  	v3 =	vld [tilespmem:s21+$0x7680]  }
0x172: {  	v6 =	vld [tilespmem:s21+$0x2780]  }
0x173: {  	v5 =	vld [tilespmem:s21+$0x7690]  }
0x174: {  	v4 =	vld [tilespmem:s21+$0x76A0]  }
0x175: {  	_ =	sdelay $0x1  }
0x176: {  	v3 =	vadd.s32 $0x2800, v3;
	_ =	sdelay $0x1  }
0x177: {  	v7 =	vld [tilespmem:s21+$0x76B0];
	v9 =	vpop (erf)  }
0x178: {  	v8 =	vld [tilespmem:s21+$0x76C0];
	[tilespmem:s30+$0xC5C0] =	vst v9  }
0x179: {  	v6 =	vld.idx.msk [tilespmem:v6+s18+$0x0], $0xffff  }
0x17a: {  	v3 =	vld.idx.msk [tilespmem:v3+s18+$0x0], $0xffff;
	_ =	sdelay $0x4  }
0x17b: {  	v3 =	vadd.f32 v3, v6;
	_ =	sdelay $0x1  }
0x17c: {  	v6 =	vmul.f32 $2.000000030e-01, v3;
	_ =	sdelay $0x1  }
0x17d: {  	v3 =	vmax.f32 v3, v6  }
0x17e: {  	v3 =	vmul.f32 $1.442695020e+00, v3;
	_ =	sdelay $0x1  }
0x17f: {  	(erf) = vpow2.f32 v3;
	_ =	sdelay $0x2  }
0x180: {  	v3 =	vld [tilespmem:s21+$0x2790];
	_ =	sdelay $0x3  }
0x181: {  	v5 =	vadd.s32 $0x2800, v5;
	_ =	sdelay $0x1  }
0x182: {  	v6 =	vpop (erf)  }
0x183: {  	[tilespmem:s21+$0xC580] =	vst v6  }
0x184: {  	v3 =	vld.idx.msk [tilespmem:v3+s18+$0x0], $0xffff  }
0x185: {  	v5 =	vld.idx.msk [tilespmem:v5+s18+$0x0], $0xffff;
	_ =	sdelay $0x4  }
0x186: {  	v3 =	vadd.f32 v5, v3;
	_ =	sdelay $0x1  }
0x187: {  	v5 =	vmul.f32 $2.000000030e-01, v3;
	_ =	sdelay $0x1  }
0x188: {  	v3 =	vmax.f32 v3, v5  }
0x189: {  	v3 =	vmul.f32 $1.442695020e+00, v3;
	_ =	sdelay $0x1  }
0x18a: {  	(erf) = vpow2.f32 v3;
	_ =	sdelay $0x2  }
0x18b: {  	v3 =	vld [tilespmem:s21+$0x27A0];
	_ =	sdelay $0x3  }
0x18c: {  	v4 =	vadd.s32 $0x2800, v4;
	_ =	sdelay $0x1  }
0x18d: {  	v5 =	vpop (erf)  }
0x18e: {  	[tilespmem:s21+$0xC590] =	vst v5  }
0x18f: {  	v3 =	vld.idx.msk [tilespmem:v3+s18+$0x0], $0xffff  }
0x190: {  	v4 =	vld.idx.msk [tilespmem:v4+s18+$0x0], $0xffff;
	_ =	sdelay $0x4  }
0x191: {  	v3 =	vadd.f32 v4, v3;
	_ =	sdelay $0x1  }
0x192: {  	v4 =	vmul.f32 $2.000000030e-01, v3;
	_ =	sdelay $0x1  }
0x193: {  	v3 =	vmax.f32 v3, v4  }
0x194: {  	v3 =	vmul.f32 $1.442695020e+00, v3;
	_ =	sdelay $0x1  }
0x195: {  	(erf) = vpow2.f32 v3;
	_ =	sdelay $0x2  }
0x196: {  	v3 =	vld [tilespmem:s21+$0x27B0];
	_ =	sdelay $0x3  }
0x197: {  	v4 =	vadd.s32 $0x2800, v7;
	_ =	sdelay $0x1  }
0x198: {  	v5 =	vpop (erf)  }
0x199: {  	[tilespmem:s21+$0xC5A0] =	vst v5  }
0x19a: {  	v3 =	vld.idx.msk [tilespmem:v3+s18+$0x0], $0xffff  }
0x19b: {  	v4 =	vld.idx.msk [tilespmem:v4+s18+$0x0], $0xffff;
	_ =	sdelay $0x4  }
0x19c: {  	v3 =	vadd.f32 v4, v3;
	_ =	sdelay $0x1  }
0x19d: {  	v4 =	vmul.f32 $2.000000030e-01, v3;
	_ =	sdelay $0x1  }
0x19e: {  	v3 =	vmax.f32 v3, v4  }
0x19f: {  	v3 =	vmul.f32 $1.442695020e+00, v3;
	_ =	sdelay $0x1  }
0x1a0: {  	(erf) = vpow2.f32 v3;
	_ =	sdelay $0x2  }
0x1a1: {  	v3 =	vld [tilespmem:s21+$0x27C0];
	_ =	sdelay $0x3  }
0x1a2: {  	v4 =	vadd.s32 $0x2800, v8;
	_ =	sdelay $0x1  }
0x1a3: {  	v5 =	vpop (erf)  }
0x1a4: {  	[tilespmem:s21+$0xC5B0] =	vst v5  }
0x1a5: {  	v3 =	vld.idx.msk [tilespmem:v3+s18+$0x0], $0xffff  }
0x1a6: {  	v4 =	vld.idx.msk [tilespmem:v4+s18+$0x0], $0xffff;
	_ =	sdelay $0x4  }
0x1a7: {  	v3 =	vadd.f32 v4, v3;
	_ =	sdelay $0x1  }
0x1a8: {  	v4 =	vmul.f32 $2.000000030e-01, v3;
	_ =	sdelay $0x1  }
0x1a9: {  	v3 =	vmax.f32 v3, v4  }
0x1aa: {  	v3 =	vmul.f32 $1.442695020e+00, v3;
	_ =	sdelay $0x1  }
0x1ab: {  	(erf) = vpow2.f32 v3;
	_ =	sdelay $0x8  }
0x1ac: {  	v4 =	vor.u32 s13, v0;
	v3 =	vpop (erf)  }
0x1ad: {  	[tilespmem:s21+$0xC5C0] =	vst v3;
	v3 =	vadd.s32 s13, v2  }
0x1ae: {  	s0 =	simm.s32 $0x0  }
0x1af: {  	[spmem:s1] =	stream.indirect.scatter.add.f32 [tilespmem:s24], [sflag:$0x1], $0x1, s23, s20, $0xb8;
	[tilespmem:$0x16F00] =	vst v63  }
0x1b0: {  	[tilespmem:s0+$0x16780] =	vst v4  }
0x1b1: {  	v4 =	vld.idx.msk [tilespmem:v4+s18+$0x0], $0xffff  }
0x1b2: {  	v3 =	vld.idx.msk [tilespmem:v3+s18+$0x0], $0xffff;
	_ =	sdelay $0x4  }
0x1b3: {  	v3 =	vadd.f32 v3, v4;
	_ =	sdelay $0x1  }
0x1b4: {  	v4 =	vmul.f32 $2.000000030e-01, v3;
	_ =	sdelay $0x1  }
0x1b5: {  	v3 =	vmax.f32 v3, v4  }
0x1b6: {  	v4 =	vmul.f32 $1.442695020e+00, v3;
	_ =	sdelay $0x1  }
0x1b7: {  	(erf) = vpow2.f32 v4;
	_ =	sdelay $0x4  }
0x1b8: {  	s30 =	sadd.s32 $0x10, s13  }
0x1b9: {  	s21 =	simm.s32 $0x10;
	v3 =	vor.u32 s30, v0  }
0x1ba: {  	s31 =	simm.s32 $0x80;
	[tilespmem:s21+$0x16780] =	vst v3;
	v4 =	vadd.s32 s30, v2  }
.LBB2_10:
0x1bb: {  	p2 =	sne.s32 s31, $0x9C0  }
0x1bc: {  	v5 =	vpop (erf)  }
0x1bd: {  	[tilespmem:s0+$0x16500] =	vst v5;
	s0 =	smov.u32 s21  }
0x1be: {  	s30 =	sadd.s32 $0x10, s30;
	v5 =	vld.idx.msk [tilespmem:v3+s18+$0x0], $0xffff  }
0x1bf: {  	s21 =	sshra.s32 s31, $0x2;
	v3 =	vor.u32 s30, v0;
	v4 =	vld.idx.msk [tilespmem:v4+s18+$0x0], $0xffff  }
0x1c0: {  	[tilespmem:s21+$0x16780] =	vst v3;
	_ =	sdelay $0x4  }
0x1c1: {  	v4 =	vadd.f32 v4, v5;
	_ =	sdelay $0x1  }
0x1c2: {  	v5 =	vmul.f32 $2.000000030e-01, v4;
	_ =	sdelay $0x1  }
0x1c3: {  	v4 =	vmax.f32 v4, v5  }
0x1c4: {  	v4 =	vmul.f32 $1.442695020e+00, v4;
	_ =	sdelay $0x1  }
0x1c5: {  	(erf) = vpow2.f32 v4;
	_ =	sdelay $0x2  }
.Ltmp4:
0x1c6: {  	(pc) =	sbr.rel @p2 .LBB2_10-.Ltmp4, $2  }
0x1c7: {  	_ =	sdelay $0x2  }
0x1c8: {  	s31 =	sadd.s32 $0x40, s31;
	v4 =	vadd.s32 s30, v2  }
0x1c9: {  	_ =	sdelay $0x1  }
0x1ca: {  	v5 =	vpop (erf)  }
0x1cb: {  	[tilespmem:s0+$0x16500] =	vst v5  }
0x1cc: {  	v3 =	vld.idx.msk [tilespmem:v3+s18+$0x0], $0xffff  }
0x1cd: {  	v4 =	vld.idx.msk [tilespmem:v4+s18+$0x0], $0xffff;
	_ =	sdelay $0x4  }
0x1ce: {  	v3 =	vadd.f32 v4, v3;
	_ =	sdelay $0x1  }
0x1cf: {  	v4 =	vmul.f32 $2.000000030e-01, v3;
	_ =	sdelay $0x1  }
0x1d0: {  	v3 =	vmax.f32 v3, v4  }
0x1d1: {  	v3 =	vmul.f32 $1.442695020e+00, v3;
	_ =	sdelay $0x1  }
0x1d2: {  	(erf) = vpow2.f32 v3;
	_ =	sdelay $0x8  }
0x1d3: {  	v3 =	vpop (erf)  }
0x1d4: {  	[tilespmem:s21+$0x16500] =	vst v3  }
0x1d5: {  	[spmem:s1] =	stream.indirect.scatter.add.f32 [tilespmem:s28], [sflag:$0x1], $0x1, s26, s25, $0xb8;
	[tilespmem:$0x16F00] =	vst v63  }
0x1d6: {  	_ =	swait.ge [sflag:s19], $0x2710  }
0x1d7: {  	[sflag:s19] =	ssyncset.done $0x0  }
0x1d8: {  	[sflag:s19] =	ssyncadd.s32 $0xFFFFD8F0  }
0x1d9: {  	_ =	swait.ge [sflag:s19], $0x2710  }
0x1da: {  	[sflag:s19] =	ssyncset.done $0x0  }
0x1db: {  	[sflag:s19] =	ssyncadd.s32 $0xFFFFD8F0  }
0x1dc: {  	_ =	swait.ge [sflag:s19], $0x280  }
0x1dd: {  	[sflag:s19] =	ssyncset.done $0x0  }
0x1de: {  	[sflag:s19] =	ssyncadd.s32 $0xFFFFFD80  }
0x1df: {  	[bflag:$0x0] =	sbarrier.arrive $0xFFFF  }
0x1e0: {  	[tilespmem:s16], [sflag:$0x2] =	stream.linear.gather [spmem:s1], $0x2800, $0x38;
	[tilespmem:$0x16F00] =	vst v63  }
0x1e1: {  	_ =	swait.ge [sflag:s17], $0x2800  }
0x1e2: {  	[sflag:s17] =	ssyncset.done $0x0  }
0x1e3: {  	s0 =	simm.s32 $0x0;
	[sflag:s17] =	ssyncadd.s32 $0xFFFFD800  }
0x1e4: {  	v3 =	vld [tilespmem:s0+$0x4F00];
	_ =	sdelay $0x7  }
0x1e5: {  	v3 =	vld.idx.msk [tilespmem:v3+s16+$0x0], $0xffff;
	_ =	sdelay $0x4  }
0x1e6: {  	(erf) = vrcp.f32 v3;
	_ =	sdelay $0x3  }
0x1e7: {  	v4 =	vld [tilespmem:s0+$0x9E00]  }
0x1e8: {  	v3 =	vld [tilespmem:s0+$0x4F10];
	_ =	sdelay $0x3  }
0x1e9: {  	v5 =	vpop (erf)  }
0x1ea: {  	v4 =	vmul.f32 v5, v4;
	_ =	sdelay $0x1  }
0x1eb: {  	[tilespmem:s0+$0x9E00] =	vst v4  }
0x1ec: {  	v3 =	vld.idx.msk [tilespmem:v3+s16+$0x0], $0xffff;
	_ =	sdelay $0x4  }
0x1ed: {  	(erf) = vrcp.f32 v3;
	_ =	sdelay $0x3  }
0x1ee: {  	v4 =	vld [tilespmem:s0+$0x9E10]  }
0x1ef: {  	v3 =	vld [tilespmem:s0+$0x4F20];
	_ =	sdelay $0x3  }
0x1f0: {  	v5 =	vpop (erf)  }
0x1f1: {  	v4 =	vmul.f32 v5, v4;
	_ =	sdelay $0x1  }
0x1f2: {  	[tilespmem:s0+$0x9E10] =	vst v4  }
0x1f3: {  	v3 =	vld.idx.msk [tilespmem:v3+s16+$0x0], $0xffff;
	_ =	sdelay $0x4  }
0x1f4: {  	(erf) = vrcp.f32 v3;
	_ =	sdelay $0x3  }
0x1f5: {  	v4 =	vld [tilespmem:s0+$0x9E20]  }
0x1f6: {  	v3 =	vld [tilespmem:s0+$0x4F30];
	_ =	sdelay $0x3  }
0x1f7: {  	v5 =	vpop (erf)  }
0x1f8: {  	v4 =	vmul.f32 v5, v4;
	_ =	sdelay $0x1  }
0x1f9: {  	[tilespmem:s0+$0x9E20] =	vst v4  }
0x1fa: {  	v3 =	vld.idx.msk [tilespmem:v3+s16+$0x0], $0xffff;
	_ =	sdelay $0x4  }
0x1fb: {  	(erf) = vrcp.f32 v3;
	_ =	sdelay $0x3  }
0x1fc: {  	v4 =	vld [tilespmem:s0+$0x9E30]  }
0x1fd: {  	v3 =	vld [tilespmem:s0+$0x4F40];
	_ =	sdelay $0x3  }
0x1fe: {  	v5 =	vpop (erf)  }
0x1ff: {  	v4 =	vmul.f32 v5, v4;
	_ =	sdelay $0x1  }
0x200: {  	[tilespmem:s0+$0x9E30] =	vst v4  }
0x201: {  	v3 =	vld.idx.msk [tilespmem:v3+s16+$0x0], $0xffff;
	_ =	sdelay $0x4  }
0x202: {  	(erf) = vrcp.f32 v3;
	_ =	sdelay $0x2  }
0x203: {  	s21 =	simm.s32 $0x50  }
0x204: {  	s30 =	simm.s32 $0x280;
	v3 =	vld [tilespmem:s21+$0x4F00]  }
.LBB2_12:
0x205: {  	p2 =	sne.s32 s30, $0x9B00;
	v4 =	vld [tilespmem:s0+$0x9E40];
	_ =	sdelay $0x3  }
0x206: {  	v5 =	vpop (erf)  }
0x207: {  	v4 =	vmul.f32 v5, v4;
	_ =	sdelay $0x1  }
0x208: {  	[tilespmem:s0+$0x9E40] =	vst v4;
	s0 =	smov.u32 s21  }
0x209: {  	v3 =	vld.idx.msk [tilespmem:v3+s16+$0x0], $0xffff;
	_ =	sdelay $0x5  }
0x20a: {  	(erf) = vrcp.f32 v3;
	_ =	sdelay $0x3  }
0x20b: {  	v3 =	vld [tilespmem:s0+$0x4F10]  }
0x20c: {  	v4 =	vld [tilespmem:s0+$0x9E00];
	_ =	sdelay $0x3  }
0x20d: {  	v5 =	vpop (erf)  }
0x20e: {  	v4 =	vmul.f32 v5, v4;
	_ =	sdelay $0x1  }
0x20f: {  	[tilespmem:s0+$0x9E00] =	vst v4  }
0x210: {  	v3 =	vld.idx.msk [tilespmem:v3+s16+$0x0], $0xffff;
	_ =	sdelay $0x5  }
0x211: {  	(erf) = vrcp.f32 v3;
	_ =	sdelay $0x3  }
0x212: {  	v3 =	vld [tilespmem:s0+$0x4F20]  }
0x213: {  	v4 =	vld [tilespmem:s0+$0x9E10];
	_ =	sdelay $0x3  }
0x214: {  	v5 =	vpop (erf)  }
0x215: {  	v4 =	vmul.f32 v5, v4;
	_ =	sdelay $0x1  }
0x216: {  	[tilespmem:s0+$0x9E10] =	vst v4  }
0x217: {  	v3 =	vld.idx.msk [tilespmem:v3+s16+$0x0], $0xffff;
	_ =	sdelay $0x5  }
0x218: {  	(erf) = vrcp.f32 v3;
	_ =	sdelay $0x3  }
0x219: {  	v3 =	vld [tilespmem:s0+$0x4F30]  }
0x21a: {  	v4 =	vld [tilespmem:s0+$0x9E20];
	_ =	sdelay $0x3  }
0x21b: {  	v5 =	vpop (erf)  }
0x21c: {  	v4 =	vmul.f32 v5, v4;
	_ =	sdelay $0x1  }
0x21d: {  	[tilespmem:s0+$0x9E20] =	vst v4  }
0x21e: {  	v3 =	vld.idx.msk [tilespmem:v3+s16+$0x0], $0xffff;
	_ =	sdelay $0x5  }
0x21f: {  	(erf) = vrcp.f32 v3;
	_ =	sdelay $0x3  }
0x220: {  	v3 =	vld [tilespmem:s0+$0x4F40]  }
0x221: {  	v4 =	vld [tilespmem:s0+$0x9E30];
	_ =	sdelay $0x3  }
0x222: {  	v5 =	vpop (erf)  }
0x223: {  	v4 =	vmul.f32 v5, v4;
	_ =	sdelay $0x1  }
0x224: {  	[tilespmem:s0+$0x9E30] =	vst v4  }
0x225: {  	v3 =	vld.idx.msk [tilespmem:v3+s16+$0x0], $0xffff;
	_ =	sdelay $0x5  }
.Ltmp5:
0x226: {  	(erf) = vrcp.f32 v3;
	(pc) =	sbr.rel @p2 .LBB2_12-.Ltmp5, $3  }
0x227: {  	_ =	sdelay $0x1  }
0x228: {  	s21 =	sshra.s32 s30, $0x2  }
0x229: {  	s30 =	sadd.s32 $0x140, s30;
	v3 =	vld [tilespmem:s21+$0x4F00]  }
0x22a: {  	v4 =	vld [tilespmem:s0+$0x9E40];
	_ =	sdelay $0x3  }
0x22b: {  	v5 =	vpop (erf)  }
0x22c: {  	v4 =	vmul.f32 v5, v4;
	_ =	sdelay $0x1  }
0x22d: {  	[tilespmem:s0+$0x9E40] =	vst v4  }
0x22e: {  	v3 =	vld.idx.msk [tilespmem:v3+s16+$0x0], $0xffff;
	_ =	sdelay $0x4  }
0x22f: {  	(erf) = vrcp.f32 v3;
	_ =	sdelay $0x3  }
0x230: {  	v4 =	vld [tilespmem:s21+$0x9E00]  }
0x231: {  	v3 =	vld [tilespmem:s21+$0x4F10];
	_ =	sdelay $0x3  }
0x232: {  	v5 =	vpop (erf)  }
0x233: {  	v4 =	vmul.f32 v5, v4;
	_ =	sdelay $0x1  }
0x234: {  	[tilespmem:s21+$0x9E00] =	vst v4  }
0x235: {  	v3 =	vld.idx.msk [tilespmem:v3+s16+$0x0], $0xffff;
	_ =	sdelay $0x4  }
0x236: {  	(erf) = vrcp.f32 v3;
	_ =	sdelay $0x3  }
0x237: {  	v4 =	vld [tilespmem:s21+$0x9E10]  }
0x238: {  	v3 =	vld [tilespmem:s21+$0x4F20];
	_ =	sdelay $0x3  }
0x239: {  	v5 =	vpop (erf)  }
0x23a: {  	v4 =	vmul.f32 v5, v4;
	_ =	sdelay $0x1  }
0x23b: {  	[tilespmem:s21+$0x9E10] =	vst v4  }
0x23c: {  	v3 =	vld.idx.msk [tilespmem:v3+s16+$0x0], $0xffff;
	_ =	sdelay $0x4  }
0x23d: {  	(erf) = vrcp.f32 v3;
	_ =	sdelay $0x3  }
0x23e: {  	v4 =	vld [tilespmem:s21+$0x9E20]  }
0x23f: {  	v3 =	vld [tilespmem:s21+$0x4F30];
	_ =	sdelay $0x3  }
0x240: {  	v5 =	vpop (erf)  }
0x241: {  	v4 =	vmul.f32 v5, v4;
	_ =	sdelay $0x1  }
0x242: {  	[tilespmem:s21+$0x9E20] =	vst v4  }
0x243: {  	v3 =	vld.idx.msk [tilespmem:v3+s16+$0x0], $0xffff;
	_ =	sdelay $0x4  }
0x244: {  	(erf) = vrcp.f32 v3;
	_ =	sdelay $0x3  }
0x245: {  	v4 =	vld [tilespmem:s21+$0x9E30]  }
0x246: {  	v3 =	vld [tilespmem:s21+$0x4F40];
	_ =	sdelay $0x3  }
0x247: {  	v5 =	vpop (erf)  }
0x248: {  	v4 =	vmul.f32 v5, v4;
	_ =	sdelay $0x1  }
0x249: {  	[tilespmem:s21+$0x9E30] =	vst v4  }
0x24a: {  	v3 =	vld.idx.msk [tilespmem:v3+s16+$0x0], $0xffff;
	_ =	sdelay $0x4  }
0x24b: {  	(erf) = vrcp.f32 v3;
	_ =	sdelay $0x4  }
0x24c: {  	v3 =	vld [tilespmem:s21+$0x9E40];
	_ =	sdelay $0x3  }
0x24d: {  	v4 =	vpop (erf)  }
0x24e: {  	v3 =	vmul.f32 v4, v3;
	_ =	sdelay $0x1  }
0x24f: {  	s31 =	simm.s32 $0x0;
	s0 =	simm.s32 $0x0;
	[tilespmem:s21+$0x9E40] =	vst v3  }
0x250: {  	[spmem:s2] =	stream.indirect.scatter.add.f32 [tilespmem:s22], [sflag:$0x1], $0x1, s31, s20, $0xb8;
	[tilespmem:$0x16F00] =	vst v63  }
0x251: {  	v3 =	vld [tilespmem:s0+$0x7680];
	_ =	sdelay $0x7  }
0x252: {  	v3 =	vld.idx.msk [tilespmem:v3+s16+$0x0], $0xffff;
	_ =	sdelay $0x4  }
0x253: {  	(erf) = vrcp.f32 v3;
	_ =	sdelay $0x3  }
0x254: {  	v4 =	vld [tilespmem:s0+$0xC580]  }
0x255: {  	v3 =	vld [tilespmem:s0+$0x7690];
	_ =	sdelay $0x3  }
0x256: {  	v5 =	vpop (erf)  }
0x257: {  	v4 =	vmul.f32 v5, v4;
	_ =	sdelay $0x1  }
0x258: {  	[tilespmem:s0+$0xC580] =	vst v4  }
0x259: {  	v3 =	vld.idx.msk [tilespmem:v3+s16+$0x0], $0xffff;
	_ =	sdelay $0x4  }
0x25a: {  	(erf) = vrcp.f32 v3;
	_ =	sdelay $0x3  }
0x25b: {  	v4 =	vld [tilespmem:s0+$0xC590]  }
0x25c: {  	v3 =	vld [tilespmem:s0+$0x76A0];
	_ =	sdelay $0x3  }
0x25d: {  	v5 =	vpop (erf)  }
0x25e: {  	v4 =	vmul.f32 v5, v4;
	_ =	sdelay $0x1  }
0x25f: {  	[tilespmem:s0+$0xC590] =	vst v4  }
0x260: {  	v3 =	vld.idx.msk [tilespmem:v3+s16+$0x0], $0xffff;
	_ =	sdelay $0x4  }
0x261: {  	(erf) = vrcp.f32 v3;
	_ =	sdelay $0x3  }
0x262: {  	v4 =	vld [tilespmem:s0+$0xC5A0]  }
0x263: {  	v3 =	vld [tilespmem:s0+$0x76B0];
	_ =	sdelay $0x3  }
0x264: {  	v5 =	vpop (erf)  }
0x265: {  	v4 =	vmul.f32 v5, v4;
	_ =	sdelay $0x1  }
0x266: {  	[tilespmem:s0+$0xC5A0] =	vst v4  }
0x267: {  	v3 =	vld.idx.msk [tilespmem:v3+s16+$0x0], $0xffff;
	_ =	sdelay $0x4  }
0x268: {  	(erf) = vrcp.f32 v3;
	_ =	sdelay $0x3  }
0x269: {  	v4 =	vld [tilespmem:s0+$0xC5B0]  }
0x26a: {  	v3 =	vld [tilespmem:s0+$0x76C0];
	_ =	sdelay $0x3  }
0x26b: {  	v5 =	vpop (erf)  }
0x26c: {  	v4 =	vmul.f32 v5, v4;
	_ =	sdelay $0x1  }
0x26d: {  	[tilespmem:s0+$0xC5B0] =	vst v4  }
0x26e: {  	v3 =	vld.idx.msk [tilespmem:v3+s16+$0x0], $0xffff;
	_ =	sdelay $0x4  }
0x26f: {  	(erf) = vrcp.f32 v3;
	_ =	sdelay $0x2  }
0x270: {  	s21 =	simm.s32 $0x50  }
0x271: {  	s30 =	simm.s32 $0x280;
	v3 =	vld [tilespmem:s21+$0x7680]  }
.LBB2_14:
0x272: {  	p2 =	sne.s32 s30, $0x9B00;
	v4 =	vld [tilespmem:s0+$0xC5C0];
	_ =	sdelay $0x3  }
0x273: {  	v5 =	vpop (erf)  }
0x274: {  	v4 =	vmul.f32 v5, v4;
	_ =	sdelay $0x1  }
0x275: {  	[tilespmem:s0+$0xC5C0] =	vst v4;
	s0 =	smov.u32 s21  }
0x276: {  	v3 =	vld.idx.msk [tilespmem:v3+s16+$0x0], $0xffff;
	_ =	sdelay $0x5  }
0x277: {  	(erf) = vrcp.f32 v3;
	_ =	sdelay $0x3  }
0x278: {  	v3 =	vld [tilespmem:s0+$0x7690]  }
0x279: {  	v4 =	vld [tilespmem:s0+$0xC580];
	_ =	sdelay $0x3  }
0x27a: {  	v5 =	vpop (erf)  }
0x27b: {  	v4 =	vmul.f32 v5, v4;
	_ =	sdelay $0x1  }
0x27c: {  	[tilespmem:s0+$0xC580] =	vst v4  }
0x27d: {  	v3 =	vld.idx.msk [tilespmem:v3+s16+$0x0], $0xffff;
	_ =	sdelay $0x5  }
0x27e: {  	(erf) = vrcp.f32 v3;
	_ =	sdelay $0x3  }
0x27f: {  	v3 =	vld [tilespmem:s0+$0x76A0]  }
0x280: {  	v4 =	vld [tilespmem:s0+$0xC590];
	_ =	sdelay $0x3  }
0x281: {  	v5 =	vpop (erf)  }
0x282: {  	v4 =	vmul.f32 v5, v4;
	_ =	sdelay $0x1  }
0x283: {  	[tilespmem:s0+$0xC590] =	vst v4  }
0x284: {  	v3 =	vld.idx.msk [tilespmem:v3+s16+$0x0], $0xffff;
	_ =	sdelay $0x5  }
0x285: {  	(erf) = vrcp.f32 v3;
	_ =	sdelay $0x3  }
0x286: {  	v3 =	vld [tilespmem:s0+$0x76B0]  }
0x287: {  	v4 =	vld [tilespmem:s0+$0xC5A0];
	_ =	sdelay $0x3  }
0x288: {  	v5 =	vpop (erf)  }
0x289: {  	v4 =	vmul.f32 v5, v4;
	_ =	sdelay $0x1  }
0x28a: {  	[tilespmem:s0+$0xC5A0] =	vst v4  }
0x28b: {  	v3 =	vld.idx.msk [tilespmem:v3+s16+$0x0], $0xffff;
	_ =	sdelay $0x5  }
0x28c: {  	(erf) = vrcp.f32 v3;
	_ =	sdelay $0x3  }
0x28d: {  	v3 =	vld [tilespmem:s0+$0x76C0]  }
0x28e: {  	v4 =	vld [tilespmem:s0+$0xC5B0];
	_ =	sdelay $0x3  }
0x28f: {  	v5 =	vpop (erf)  }
0x290: {  	v4 =	vmul.f32 v5, v4;
	_ =	sdelay $0x1  }
0x291: {  	[tilespmem:s0+$0xC5B0] =	vst v4  }
0x292: {  	v3 =	vld.idx.msk [tilespmem:v3+s16+$0x0], $0xffff;
	_ =	sdelay $0x5  }
.Ltmp6:
0x293: {  	(erf) = vrcp.f32 v3;
	(pc) =	sbr.rel @p2 .LBB2_14-.Ltmp6, $3  }
0x294: {  	_ =	sdelay $0x1  }
0x295: {  	s21 =	sshra.s32 s30, $0x2  }
0x296: {  	s30 =	sadd.s32 $0x140, s30;
	v3 =	vld [tilespmem:s21+$0x7680]  }
0x297: {  	v4 =	vld [tilespmem:s0+$0xC5C0];
	_ =	sdelay $0x3  }
0x298: {  	v5 =	vpop (erf)  }
0x299: {  	v4 =	vmul.f32 v5, v4;
	_ =	sdelay $0x1  }
0x29a: {  	[tilespmem:s0+$0xC5C0] =	vst v4  }
0x29b: {  	v3 =	vld.idx.msk [tilespmem:v3+s16+$0x0], $0xffff;
	_ =	sdelay $0x4  }
0x29c: {  	(erf) = vrcp.f32 v3;
	_ =	sdelay $0x3  }
0x29d: {  	v4 =	vld [tilespmem:s21+$0xC580]  }
0x29e: {  	v3 =	vld [tilespmem:s21+$0x7690];
	_ =	sdelay $0x3  }
0x29f: {  	v5 =	vpop (erf)  }
0x2a0: {  	v4 =	vmul.f32 v5, v4;
	_ =	sdelay $0x1  }
0x2a1: {  	[tilespmem:s21+$0xC580] =	vst v4  }
0x2a2: {  	v3 =	vld.idx.msk [tilespmem:v3+s16+$0x0], $0xffff;
	_ =	sdelay $0x4  }
0x2a3: {  	(erf) = vrcp.f32 v3;
	_ =	sdelay $0x3  }
0x2a4: {  	v4 =	vld [tilespmem:s21+$0xC590]  }
0x2a5: {  	v3 =	vld [tilespmem:s21+$0x76A0];
	_ =	sdelay $0x3  }
0x2a6: {  	v5 =	vpop (erf)  }
0x2a7: {  	v4 =	vmul.f32 v5, v4;
	_ =	sdelay $0x1  }
0x2a8: {  	[tilespmem:s21+$0xC590] =	vst v4  }
0x2a9: {  	v3 =	vld.idx.msk [tilespmem:v3+s16+$0x0], $0xffff;
	_ =	sdelay $0x4  }
0x2aa: {  	(erf) = vrcp.f32 v3;
	_ =	sdelay $0x3  }
0x2ab: {  	v4 =	vld [tilespmem:s21+$0xC5A0]  }
0x2ac: {  	v3 =	vld [tilespmem:s21+$0x76B0];
	_ =	sdelay $0x3  }
0x2ad: {  	v5 =	vpop (erf)  }
0x2ae: {  	v4 =	vmul.f32 v5, v4;
	_ =	sdelay $0x1  }
0x2af: {  	[tilespmem:s21+$0xC5A0] =	vst v4  }
0x2b0: {  	v3 =	vld.idx.msk [tilespmem:v3+s16+$0x0], $0xffff;
	_ =	sdelay $0x4  }
0x2b1: {  	(erf) = vrcp.f32 v3;
	_ =	sdelay $0x3  }
0x2b2: {  	v4 =	vld [tilespmem:s21+$0xC5B0]  }
0x2b3: {  	v3 =	vld [tilespmem:s21+$0x76C0];
	_ =	sdelay $0x3  }
0x2b4: {  	v5 =	vpop (erf)  }
0x2b5: {  	v4 =	vmul.f32 v5, v4;
	_ =	sdelay $0x1  }
0x2b6: {  	[tilespmem:s21+$0xC5B0] =	vst v4  }
0x2b7: {  	v3 =	vld.idx.msk [tilespmem:v3+s16+$0x0], $0xffff;
	_ =	sdelay $0x4  }
0x2b8: {  	(erf) = vrcp.f32 v3;
	_ =	sdelay $0x4  }
0x2b9: {  	v3 =	vld [tilespmem:s21+$0xC5C0];
	_ =	sdelay $0x3  }
0x2ba: {  	v4 =	vpop (erf)  }
0x2bb: {  	v3 =	vmul.f32 v4, v3;
	_ =	sdelay $0x1  }
0x2bc: {  	s0 =	simm.s32 $0x0;
	[tilespmem:s21+$0xC5C0] =	vst v3;
	s21 =	sadd.s32 $0x0, s13  }
0x2bd: {  	[spmem:s2] =	stream.indirect.scatter.add.f32 [tilespmem:s24], [sflag:$0x1], $0x1, s29, s20, $0xb8;
	[tilespmem:$0x16F00] =	vst v63  }
0x2be: {  	s0 =	sand.u32 $0x70, s0;
	s21 =	sand.u32 $0x7F80, s21  }
0x2bf: {  	s0 =	sor.u32 s0, s21  }
0x2c0: {  	v3 =	vld [tilespmem:s0+$0x13D00];
	_ =	sdelay $0x4  }
0x2c1: {  	(erf) = vrcp.f32 v3;
	_ =	sdelay $0x3  }
0x2c2: {  	s0 =	simm.s32 $0x16500  }
0x2c3: {  	v3 =	vld [tilespmem:s0+$0x0];
	_ =	sdelay $0x3  }
0x2c4: {  	v4 =	vpop (erf)  }
0x2c5: {  	s31 =	sadd.s32 $0x10, s13;
	s30 =	simm.s32 $0x20;
	s21 =	simm.s32 $0x10;
	v3 =	vmul.f32 v4, v3  }
.LBB2_16:
0x2c6: {  	p2 =	sne.s32 s30, $0x270;
	s31 =	sand.u32 $0x7F80, s31;
	s21 =	sand.u32 $0x70, s21  }
0x2c7: {  	s31 =	sor.u32 s21, s31;
	[tilespmem:s0+$0x0] =	vst v3;
	s21 =	smov.u32 s30  }
0x2c8: {  	v3 =	vld [tilespmem:s31+$0x13D00];
	_ =	sdelay $0x4  }
0x2c9: {  	(erf) = vrcp.f32 v3;
	_ =	sdelay $0x3  }
0x2ca: {  	s0 =	sadd.s32 $0x10, s0  }
0x2cb: {  	v3 =	vld [tilespmem:s0+$0x0]  }
.Ltmp7:
0x2cc: {  	(pc) =	sbr.rel @p2 .LBB2_16-.Ltmp7, $3  }
0x2cd: {  	_ =	sdelay $0x1  }
0x2ce: {  	v4 =	vpop (erf)  }
0x2cf: {  	s30 =	sadd.s32 $0x10, s30;
	s31 =	sadd.s32 s21, s13;
	v3 =	vmul.f32 v4, v3  }
0x2d0: {  	s30 =	sand.u32 $0x7F80, s31;
	s21 =	sand.u32 $0x70, s21  }
0x2d1: {  	s21 =	sor.u32 s21, s30;
	[tilespmem:s0+$0x0] =	vst v3  }
0x2d2: {  	v3 =	vld [tilespmem:s21+$0x13D00];
	_ =	sdelay $0x4  }
0x2d3: {  	(erf) = vrcp.f32 v3;
	_ =	sdelay $0x3  }
0x2d4: {  	s31 =	sadd.s32 $0x10, s0  }
0x2d5: {  	v3 =	vld [tilespmem:s31+$0x0];
	_ =	sdelay $0x3  }
0x2d6: {  	v4 =	vpop (erf)  }
0x2d7: {  	v3 =	vmul.f32 v4, v3;
	_ =	sdelay $0x1  }
0x2d8: {  	[tilespmem:s31+$0x0] =	vst v3  }
0x2d9: {  	[spmem:s2] =	stream.indirect.scatter.add.f32 [tilespmem:s28], [sflag:$0x1], $0x1, s26, s25, $0xb8;
	[tilespmem:$0x16F00] =	vst v63  }
0x2da: {  	_ =	swait.ge [sflag:s19], $0x2710  }
0x2db: {  	[sflag:s19] =	ssyncset.done $0x0  }
0x2dc: {  	[sflag:s19] =	ssyncadd.s32 $0xFFFFD8F0  }
0x2dd: {  	_ =	swait.ge [sflag:s19], $0x2710  }
0x2de: {  	[sflag:s19] =	ssyncset.done $0x0  }
0x2df: {  	[sflag:s19] =	ssyncadd.s32 $0xFFFFD8F0  }
0x2e0: {  	_ =	swait.ge [sflag:s19], $0x280  }
0x2e1: {  	[sflag:s19] =	ssyncset.done $0x0  }
0x2e2: {  	s3 =	sadd.s32 $0x1, s3;
	s0 =	sshrl.u32 @!p1 s2, $0x3;
	[sflag:s19] =	ssyncadd.s32 $0xFFFFFD80  }
0x2e3: {  	p2 =	sne.s32 s3, s15;
	s21 =	simm.s32 @!p1 $0x1C02;
	[bflag:$0x0] =	sbarrier.arrive $0xFFFF  }
0x2e4: {  	[hbm:s14], [sflag:s21] =	dma.local @!p1 [spmem:s0], $0x500  }
.Ltmp8:
0x2e5: {  	_ = 	snop;
	(pc) =	sbr.rel @p2 .LBB2_1-.Ltmp8, $4  }
0x2e6: {  	s0 =	simm.s32 @!p1 $0x2  }
0x2e7: {  	_ =	swait.ge @!p1 [sflag:s0], $0x500  }
0x2e8: {  	[sflag:s0] =	ssyncset.done @!p1 $0x0  }
0x2e9: {  	[sflag:s0] =	ssyncadd.s32 @!p1 $0xFFFFFB00  }
0x2ea: {  	_ =	sfence.sel $0x180000  }
0x2eb: {  	[bflag:$0x0] =	sbarrier.arrive $0xFFFF  }
0x2ec: {  	_ =	strace $0x90000047  }
0x2ed: {  	[bflag:$0x2] =	sbarrier.arrive $0xFFFF  }
0x2ee: {  	s0 =	rddreg [dreg:$0x3]  }
0x2ef: {  	s0 =	sadd.s32 @!p1 $0x100000, s0  }
0x2f0: {  	[sflag:s0] =	ssyncadd.tile.s32 @!p1 $0x1;
	_ =	shalt  }
.Lfunc_end2:
_tile_overlayer_lowered:
.L_overlay_start_2:
0x2f1: {  	(tag) =	ssettag $0x2  }
0x2f2: {  	s0 =	rddreg [dreg:$0x0];
	s2 =	stileid.u32  }
0x2f3: {  	s1 =	rddreg [dreg:$0x1];
	p0 =	sne.s32 s2, $0x0  }
0x2f4: {  	s3 =	rddreg [dreg:$0x2];
	[bflag:$0x3] =	sbarrier.arrive $0xFFFF;
	s2 =	simm.s32 @!p0 $0x1C02  }
0x2f5: {  	[timem:s3], [sflag:s2] =	dma.local @!p0 [hbm:s0], s1  }
0x2f6: {  	s0 =	simm.s32 @!p0 $0x2  }
0x2f7: {  	_ =	swait.ge @!p0 [sflag:s0], s1  }
0x2f8: {  	s1 =	ssub.s32 @!p0 $0x0, s1;
	[sflag:s0] =	ssyncset.done @!p0 $0x0  }
0x2f9: {  	[sflag:s0] =	ssyncadd.s32 @!p0 s1  }
0x2fa: {  	[bflag:$0x3] =	sbarrier.arrive $0xFFFF  }
0x2fb: {  	_ =	shalt  }

</sc_bundles>
